<compile_context>
chip_gen: v7x
topology: tpu7x:2x2x1
jax: 0.10.2.dev20260603
libtpu: 0.0.44.dev20260713+nightly
codegen_flags: <defaults>
</compile_context>

<pallas_src>
import functools

import jax
import jax.numpy as jnp
import numpy as np
from jax import lax
from jax.experimental import pallas as pl
from jax.experimental.pallas import tpu as pltpu
from jax.experimental.pallas import tpu_sc as plsc

N = 2048
E = 65536
K = 50
L = 128
Q_ITERS = 30
NS_ITERS = 16
JACOBI_SWEEPS = 8


_NC = 2
_NSC = 16
_NW = _NC * _NSC
_ROWS_PER = 32
_PASSES = N // (_NW * _ROWS_PER)
_STRIPE = _ROWS_PER * N
_CHUNK = 2048


def _build_adj_body(row_hbm, col_hbm, a_hbm, acc, rbuf, cbuf):
    wid = lax.axis_index("s") * _NC + lax.axis_index("c")
    zeros16 = jnp.zeros((16,), jnp.float32)
    ones16 = jnp.ones((16,), jnp.float32)
    for p in range(_PASSES):
        stripe = p * _NW + wid
        base_row = stripe * _ROWS_PER

        def _zero(i, carry):
            acc[pl.ds(i * 16, 16)] = zeros16
            return carry

        lax.fori_loop(0, _STRIPE // 16, _zero, 0)

        def _chunk(ci, carry):
            off = ci * _CHUNK
            pltpu.sync_copy(row_hbm.at[pl.ds(off, _CHUNK)], rbuf)
            pltpu.sync_copy(col_hbm.at[pl.ds(off, _CHUNK)], cbuf)

            def _edges(j, c2):
                r = rbuf[pl.ds(j * 16, 16)]
                c = cbuf[pl.ds(j * 16, 16)]
                sel = lax.shift_right_logical(r, 5) == stripe
                idx = lax.shift_left(r - base_row, 11) + c
                idx = jnp.where(sel, idx, 0)
                plsc.addupdate_scatter(acc, [idx], ones16, mask=sel)
                return c2

            lax.fori_loop(0, _CHUNK // 16, _edges, 0)
            return carry

        lax.fori_loop(0, E // _CHUNK, _chunk, 0)
        pltpu.sync_copy(acc, a_hbm.at[pl.ds(stripe * _STRIPE, _STRIPE)])


@functools.cache
def _build_adj_kernel():
    return pl.kernel(
        _build_adj_body,
        out_type=jax.ShapeDtypeStruct((N * N,), jnp.float32),
        mesh=plsc.VectorSubcoreMesh(
            core_axis_name="c", subcore_axis_name="s",
            num_cores=_NC, num_subcores=_NSC),
        scratch_types=[
            pltpu.VMEM((_STRIPE,), jnp.float32),
            pltpu.VMEM((_CHUNK,), jnp.int32),
            pltpu.VMEM((_CHUNK,), jnp.int32),
        ],
        compiler_params=pltpu.CompilerParams(needs_layout_passes=False),
    )



_F32 = jnp.float32


def _split_f32(X):
    hi = X.astype(jnp.bfloat16)
    lo = (X - hi.astype(_F32)).astype(jnp.bfloat16)
    return hi, lo


def _split3_f32(X):
    x1 = X.astype(jnp.bfloat16)
    r1 = X - x1.astype(_F32)
    x2 = r1.astype(jnp.bfloat16)
    x3 = (r1 - x2.astype(_F32)).astype(jnp.bfloat16)
    return x1, x2, x3


def _big_mm(mhi_ref, mlo_ref, Y):
    y1, y2, y3 = _split3_f32(Y)
    d = lambda a, b: lax.dot_general(
        a, b, (((1,), (0,)), ((), ())), preferred_element_type=_F32)
    mhi = mhi_ref[...]
    return ((d(mhi, y1) + d(mlo_ref[...], y1)) + (d(mhi, y2) + d(mhi, y3)))


def _mm_body(ab_ref, mhi_ref, mlo_ref):
    Ab = ab_ref[...]
    M = lax.dot_general(
        Ab, Ab, (((1,), (1,)), ((), ())), preferred_element_type=_F32)
    hi, lo = _split_f32(M)
    mhi_ref[...] = hi
    mlo_ref[...] = lo


def _ns_invsqrt(G, ident):
    t = jnp.sqrt(jnp.sum(G * G))
    Gs = G / t
    Yk, Zk = Gs, ident
    for _ in range(NS_ITERS):
        T = 1.5 * ident - 0.5 * jnp.dot(Zk, Yk, preferred_element_type=_F32, precision=lax.Precision.HIGHEST)
        Yk = jnp.dot(Yk, T, preferred_element_type=_F32, precision=lax.Precision.HIGHEST)
        Zk = jnp.dot(T, Zk, preferred_element_type=_F32, precision=lax.Precision.HIGHEST)
    return Zk * lax.rsqrt(t)


def _subspace_body(mhi_ref, mlo_ref, x_ref, q_ref, y_scr):
    i = pl.program_id(0)

    @pl.when(i == 0)
    def _():
        y_scr[...] = x_ref[...]

    ident = jnp.eye(L, dtype=_F32)
    Z = _big_mm(mhi_ref, mlo_ref, y_scr[...])
    G = jnp.dot(Z.T, Z, preferred_element_type=_F32, precision=lax.Precision.HIGHEST)
    Y = jnp.dot(Z, _ns_invsqrt(G, ident), preferred_element_type=_F32, precision=lax.Precision.HIGHEST)
    y_scr[...] = Y
    q_ref[...] = Y


def _ritz_h_body(mhi_ref, mlo_ref, q_ref, h_ref):
    Q = q_ref[...]
    MQ = _big_mm(mhi_ref, mlo_ref, Q)
    h_ref[...] = jnp.dot(Q.T, MQ, preferred_element_type=_F32, precision=lax.Precision.HIGHEST)


def _jacobi_body(h_ref, perm_ref, h_out, v_out):
    h = L // 2
    identh = jnp.eye(h, dtype=_F32)
    Pm = perm_ref[...]

    @pl.when(pl.program_id(0) == 0)
    def _():
        h_out[...] = h_ref[...]
        v_out[...] = jnp.eye(L, dtype=_F32)

    Hc = h_out[...]
    Vc = v_out[...]

    def _angles(axis):
        app = jnp.sum(Hc[:h, :h] * identh, axis=axis, keepdims=True)
        aqq = jnp.sum(Hc[h:, h:] * identh, axis=axis, keepdims=True)
        apq = jnp.sum(Hc[:h, h:] * identh, axis=axis, keepdims=True)
        tau = (aqq - app) / (2.0 * apq + 1e-30)
        tt = jnp.sign(tau) / (jnp.abs(tau) + jnp.sqrt(1.0 + tau * tau))
        c = lax.rsqrt(1.0 + tt * tt)
        return c, tt * c

    cr, sr = _angles(0)
    cc, sc_ = _angles(1)

    def colJ(X):
        Xl, Xr = X[:, :h], X[:, h:]
        return jnp.concatenate([Xl * cr - Xr * sr, Xl * sr + Xr * cr], axis=1)

    def rowJt(X):
        Xt, Xb = X[:h, :], X[h:, :]
        return jnp.concatenate([cc * Xt - sc_ * Xb, sc_ * Xt + cc * Xb], axis=0)

    Hr = rowJt(colJ(Hc))
    h_out[...] = lax.dot_general(
        jnp.dot(Pm, Hr, preferred_element_type=_F32, precision=lax.Precision.HIGHEST),
        Pm, (((1,), (1,)), ((), ())), preferred_element_type=_F32, precision=lax.Precision.HIGHEST)
    v_out[...] = lax.dot_general(
        colJ(Vc), Pm, (((1,), (1,)), ((), ())), preferred_element_type=_F32, precision=lax.Precision.HIGHEST)


def _pipeline_body(ab_ref, q_ref, h_ref, v_ref, x_ref, w1_ref, b1_ref, w2_ref,
                   b2_ref, out_ref):
    ident = jnp.eye(L, dtype=_F32)
    H = h_ref[...]
    lam_r = jnp.sum(H * ident, axis=0, keepdims=True)
    lam_c = jnp.sum(H * ident, axis=1, keepdims=True)
    jr = lax.broadcasted_iota(jnp.int32, (L, L), 0)
    jc = lax.broadcasted_iota(jnp.int32, (L, L), 1)
    gt = (lam_c > lam_r) | ((lam_c == lam_r) & (jr < jc))
    rank = jnp.sum(gt.astype(_F32), axis=0, keepdims=True)
    mask = (rank < float(K)).astype(_F32)

    W = jnp.dot(q_ref[...], v_ref[...] * mask, preferred_element_type=_F32, precision=lax.Precision.HIGHEST)
    Wt = W.T
    Ab = ab_ref[...]
    d = lambda a, b: lax.dot_general(
        a, b, (((1,), (0,)), ((), ())), preferred_element_type=_F32)

    def apply_adjk(v):
        vhi, vlo = _split_f32(v)
        t1 = d(Ab, vhi) + d(Ab, vlo)
        t2 = jnp.dot(Wt, t1, preferred_element_type=_F32, precision=lax.Precision.HIGHEST)
        return jnp.dot(W, t2, preferred_element_type=_F32, precision=lax.Precision.HIGHEST)

    x = x_ref[...]
    h1 = jnp.dot(x, w1_ref[...], preferred_element_type=_F32, precision=lax.Precision.HIGHEST) + b1_ref[...]
    hid = jnp.maximum(apply_adjk(h1), 0.0)
    g = jnp.dot(hid, w2_ref[...], preferred_element_type=_F32, precision=lax.Precision.HIGHEST) + b2_ref[...]
    out_ref[...] = apply_adjk(g)


def _round_robin_perm():
    h = L // 2
    pi = np.zeros(L, dtype=np.int64)
    pi[0] = 0
    pi[1] = h
    for i in range(2, h):
        pi[i] = i - 1
    for i in range(h - 1):
        pi[h + i] = h + i + 1
    pi[L - 1] = h - 1
    Pm = np.zeros((L, L), dtype=np.float32)
    Pm[np.arange(L), pi] = 1.0
    return Pm


_PERM = _round_robin_perm()


def kernel(x, edge_index, W1, b1, W2, b2):
    f32 = jnp.float32
    row = edge_index[0]
    col = edge_index[1]
    a_flat = _build_adj_kernel()(row, col)
    Ab = a_flat.reshape(N, N).astype(jnp.bfloat16)

    Mhi, Mlo = pl.pallas_call(
        _mm_body,
        out_shape=[jax.ShapeDtypeStruct((N, N), jnp.bfloat16),
                   jax.ShapeDtypeStruct((N, N), jnp.bfloat16)],
    )(Ab)

    full = lambda s: pl.BlockSpec(s, lambda i: (0, 0))
    Q = pl.pallas_call(
        _subspace_body,
        grid=(Q_ITERS,),
        in_specs=[full((N, N)), full((N, N)), full((N, L))],
        out_specs=full((N, L)),
        out_shape=jax.ShapeDtypeStruct((N, L), f32),
        scratch_shapes=[pltpu.VMEM((N, L), f32)],
    )(Mhi, Mlo, x)

    H = pl.pallas_call(
        _ritz_h_body,
        out_shape=jax.ShapeDtypeStruct((L, L), f32),
    )(Mhi, Mlo, Q)

    fullL = pl.BlockSpec((L, L), lambda i: (0, 0))
    Hd, V = pl.pallas_call(
        _jacobi_body,
        grid=(JACOBI_SWEEPS * (L - 1),),
        in_specs=[fullL, fullL],
        out_specs=[fullL, fullL],
        out_shape=[jax.ShapeDtypeStruct((L, L), f32),
                   jax.ShapeDtypeStruct((L, L), f32)],
    )(H, _PERM)

    out = pl.pallas_call(
        _pipeline_body,
        out_shape=jax.ShapeDtypeStruct((N, W2.shape[1]), f32),
    )(Ab, Q, Hd, V, x, W1, b1.reshape(1, -1), W2, b2.reshape(1, -1))
    return out

# --- scband reference (transcript-rebuilt; emitter-appended) ---
"""Pipeline reference for scband-gcnsvd-39762807226543 (READ-ONLY COPY).

The authoritative reference and input builder live on the scoring server;
editing this copy changes nothing except your own understanding.
"""

import jax, jax.numpy as jnp
import numpy as np

N = 2048
E = 65536
D_IN = 128
D_HID = 128
D_OUT = 64
K = 50


def setup_inputs(seed: int = 0) -> dict:
    key = jax.random.key(seed)
    k1, k2, k3, k4, k5 = jax.random.split(key, 5)
    x = jax.random.normal(k1, (N, D_IN), dtype=jnp.float32)
    row = jax.random.randint(k2, (E,), 0, N)
    col = jax.random.randint(k3, (E,), 0, N)
    edge_index = jnp.stack([row, col]).astype(jnp.int32)
    W1 = jax.random.normal(k4, (D_IN, D_HID), dtype=jnp.float32) / jnp.sqrt(D_IN)
    b1 = jnp.zeros((D_HID,), dtype=jnp.float32)
    W2 = jax.random.normal(k5, (D_HID, D_OUT), dtype=jnp.float32) / jnp.sqrt(D_HID)
    b2 = jnp.zeros((D_OUT,), dtype=jnp.float32)
    return {"x": x, "edge_index": edge_index, "W1": W1, "b1": b1, "W2": W2, "b2": b2}


def _truncated_svd_adj(edge_index, n, k):
    # sp.csr_matrix((ones, (row, col))) sums duplicate entries -> scatter-add
    row = edge_index[0]
    col = edge_index[1]
    adj = jnp.zeros((n, n), dtype=jnp.float32).at[row, col].add(1.0)
    # scipy svds(adj, k) keeps top-k singular triplets; reconstruction U @ diag(S) @ V
    U, S, Vt = jnp.linalg.svd(adj, full_matrices=False)
    Uk = U[:, :k]
    Sk = S[:k]
    Vk = Vt[:k, :]
    return Uk @ jnp.diag(Sk) @ Vk


def reference(x, edge_index, W1, b1, W2, b2):
    # adj = truncatedSVD(adj, k); adj_norm_func is None -> adjacency used as-is
    adj = _truncated_svd_adj(edge_index, x.shape[0], K)
    # GCNConv layer 1: linear -> aggregate -> relu
    h = adj @ (x @ W1 + b1)
    h = jax.nn.relu(h)
    # GCNConv layer 2 (output layer, no activation, no residual, no dropout)
    out = adj @ (h @ W2 + b2)
    return out

if __name__ == "__main__":
    import jax
    _d = setup_inputs()
    print(jax.jit(kernel)(*tuple(_d.values())))

</pallas_src>

<mosaic_0001>
#map = affine_map<(d0, d1) -> (0)>
module attributes {stable_mosaic.version = 14 : i64} {
  func.func @_build_adj_body(%arg0: i32, %arg1: i32, %arg2: memref<65536xi32, #tpu.memory_space<hbm>>, %arg3: memref<65536xi32, #tpu.memory_space<hbm>>, %arg4: memref<4194304xf32, #tpu.memory_space<hbm>>, %arg5: memref<65536xf32, #tpu.memory_space<vmem>>, %arg6: memref<2048xi32, #tpu.memory_space<vmem>>, %arg7: memref<2048xi32, #tpu.memory_space<vmem>>) attributes {dimension_semantics = [#tpu.dimension_semantics<core_parallel>, #tpu.dimension_semantics<subcore_parallel>], iteration_bounds = array<i64: 2, 16>, scalar_prefetch = 0 : i64, scratch_operands = 3 : i64, tpu.core_type = #tpu.core_type<sc_vector_subcore>, window_params = [{transform_indices = #map}, {transform_indices = #map}, {transform_indices = #map}]} {
    %mul3A = arith.constant 2 : i32
    %mul3A_0 = arith.muli %arg1, %mul3A : i32
    %add3A = arith.addi %mul3A_0, %arg0 : i32
    %broadcast_in_dim3A = arith.constant 0.000000e+00 : f32
    %broadcast_in_dim3A_1 = vector.broadcast %broadcast_in_dim3A : f32 to vector<16xf32>
    %broadcast_in_dim3A_2 = arith.constant 1.000000e+00 : f32
    %broadcast_in_dim3A_3 = vector.broadcast %broadcast_in_dim3A_2 : f32 to vector<16xf32>
    %add3A_4 = arith.constant 0 : i32
    %add3A_5 = arith.addi %add3A_4, %add3A : i32
    %mul3A_6 = arith.constant 32 : i32
    %mul3A_7 = arith.muli %add3A_5, %mul3A_6 : i32
    %scan3A = arith.constant 0 : i32
    %scan3A_8 = arith.constant 0 : i32
    %scan3A_9 = arith.constant 4096 : i32
    %scan3A_10 = arith.addi %scan3A_8, %scan3A_9 : i32
    %scan3A_11 = arith.constant 1 : i32
    scf.for %scan3A_39 = %scan3A_8 to %scan3A_10 step %scan3A_11  : i32 {
      %mul3A_40 = arith.constant 16 : i32
      %mul3A_41 = arith.muli %scan3A_39, %mul3A_40 : i32
      %swap3A = arith.index_cast %mul3A_41 : i32 to index
      %swap3A_42 = tpu.vector_load %arg5[%swap3A] {strides = array<i32>} : memref<65536xf32, #tpu.memory_space<vmem>>, vector<16xf32>,
      tpu.vector_store %arg5[%swap3A], %broadcast_in_dim3A_1 {strides = array<i32>} : memref<65536xf32, #tpu.memory_space<vmem>>, vector<16xf32>,
    }
    %scan3A_12 = arith.constant 4096 : i32
    %scan3A_13 = arith.constant 0 : i32
    %scan3A_14 = arith.constant 0 : i32
    %scan3A_15 = arith.constant 32 : i32
    %scan3A_16 = arith.addi %scan3A_14, %scan3A_15 : i32
    %scan3A_17 = arith.constant 1 : i32
    scf.for %scan3A_39 = %scan3A_14 to %scan3A_16 step %scan3A_17  : i32 {
      %mul3A_40 = arith.constant 2048 : i32
      %mul3A_41 = arith.muli %scan3A_39, %mul3A_40 : i32
      "tpu.region"() ({
        %run_scoped3A = tpu.sem_alloc : memref<!tpu.dma_semaphore, #tpu.memory_space<semaphore_mem>>
        %dma_start3A = tpu.memref_slice %arg2[%mul3A_41] : memref<65536xi32, #tpu.memory_space<hbm>> -> memref<2048xi32, #tpu.memory_space<hbm>>
        %dma_start3A_48 = tpu.memref_slice %arg2[%mul3A_41] : memref<65536xi32, #tpu.memory_space<hbm>> -> memref<2048xi32, #tpu.memory_space<hbm>>
        tpu.enqueue_dma source(%dma_start3A_48 : memref<2048xi32, #tpu.memory_space<hbm>>) target(%arg6 : memref<2048xi32, #tpu.memory_space<vmem>>) target_semaphore(%run_scoped3A : memref<!tpu.dma_semaphore, #tpu.memory_space<semaphore_mem>>)
        %dma_wait3A = tpu.memref_slice %arg2[%mul3A_41] : memref<65536xi32, #tpu.memory_space<hbm>> -> memref<2048xi32, #tpu.memory_space<hbm>>
        %dma_wait3A_49 = tpu.memref_slice %arg2[%mul3A_41] : memref<65536xi32, #tpu.memory_space<hbm>> -> memref<2048xi32, #tpu.memory_space<hbm>>
        tpu.wait_dma2 semaphore(%run_scoped3A : memref<!tpu.dma_semaphore, #tpu.memory_space<semaphore_mem>>) src(%dma_wait3A_49 : memref<2048xi32, #tpu.memory_space<hbm>>) dst(%arg6 : memref<2048xi32, #tpu.memory_space<vmem>>)
        tpu.yield
      }) : () -> ()
      "tpu.region"() ({
        %run_scoped3A = tpu.sem_alloc : memref<!tpu.dma_semaphore, #tpu.memory_space<semaphore_mem>>
        %dma_start3A = tpu.memref_slice %arg3[%mul3A_41] : memref<65536xi32, #tpu.memory_space<hbm>> -> memref<2048xi32, #tpu.memory_space<hbm>>
        %dma_start3A_48 = tpu.memref_slice %arg3[%mul3A_41] : memref<65536xi32, #tpu.memory_space<hbm>> -> memref<2048xi32, #tpu.memory_space<hbm>>
        tpu.enqueue_dma source(%dma_start3A_48 : memref<2048xi32, #tpu.memory_space<hbm>>) target(%arg7 : memref<2048xi32, #tpu.memory_space<vmem>>) target_semaphore(%run_scoped3A : memref<!tpu.dma_semaphore, #tpu.memory_space<semaphore_mem>>)
        %dma_wait3A = tpu.memref_slice %arg3[%mul3A_41] : memref<65536xi32, #tpu.memory_space<hbm>> -> memref<2048xi32, #tpu.memory_space<hbm>>
        %dma_wait3A_49 = tpu.memref_slice %arg3[%mul3A_41] : memref<65536xi32, #tpu.memory_space<hbm>> -> memref<2048xi32, #tpu.memory_space<hbm>>
        tpu.wait_dma2 semaphore(%run_scoped3A : memref<!tpu.dma_semaphore, #tpu.memory_space<semaphore_mem>>) src(%dma_wait3A_49 : memref<2048xi32, #tpu.memory_space<hbm>>) dst(%arg7 : memref<2048xi32, #tpu.memory_space<vmem>>)
        tpu.yield
      }) : () -> ()
      %scan3A_42 = arith.constant 0 : i32
      %scan3A_43 = arith.constant 0 : i32
      %scan3A_44 = arith.constant 128 : i32
      %scan3A_45 = arith.addi %scan3A_43, %scan3A_44 : i32
      %scan3A_46 = arith.constant 1 : i32
      scf.for %scan3A_48 = %scan3A_43 to %scan3A_45 step %scan3A_46  : i32 {
        %mul3A_49 = arith.constant 16 : i32
        %mul3A_50 = arith.muli %scan3A_48, %mul3A_49 : i32
        %get3A = arith.index_cast %mul3A_50 : i32 to index
        %get3A_51 = tpu.vector_load %arg6[%get3A] {strides = array<i32>} : memref<2048xi32, #tpu.memory_space<vmem>>, vector<16xi32>,
        %mul3A_52 = arith.constant 16 : i32
        %mul3A_53 = arith.muli %scan3A_48, %mul3A_52 : i32
        %get3A_54 = arith.index_cast %mul3A_53 : i32 to index
        %get3A_55 = tpu.vector_load %arg7[%get3A_54] {strides = array<i32>} : memref<2048xi32, #tpu.memory_space<vmem>>, vector<16xi32>,
        %shift_right_logical3A = arith.constant 5 : i32
        %shift_right_logical3A_56 = vector.broadcast %shift_right_logical3A : i32 to vector<16xi32>
        %shift_right_logical3A_57 = arith.shrui %get3A_51, %shift_right_logical3A_56 : vector<16xi32>
        %eq3A = vector.broadcast %add3A_5 : i32 to vector<16xi32>
        %eq3A_58 = arith.cmpi eq, %shift_right_logical3A_57, %eq3A : vector<16xi32>
        %sub3A = vector.broadcast %mul3A_7 : i32 to vector<16xi32>
        %sub3A_59 = arith.subi %get3A_51, %sub3A : vector<16xi32>
        %shift_left3A = arith.constant 11 : i32
        %shift_left3A_60 = vector.broadcast %shift_left3A : i32 to vector<16xi32>
        %shift_left3A_61 = arith.shli %sub3A_59, %shift_left3A_60 : vector<16xi32>
        %add3A_62 = arith.addi %shift_left3A_61, %get3A_55 : vector<16xi32>
        %jit3A = arith.constant 0 : i32
        %broadcast_in_dim3A_63 = vector.broadcast %jit3A : i32 to vector<16xi32>
        %select_n3A = arith.select %eq3A_58, %add3A_62, %broadcast_in_dim3A_63 : vector<16xi1>, vector<16xi32>
        tpu.vector_store_idx %arg5[%select_n3A], %broadcast_in_dim3A_3 masked %eq3A_58 {add = true} : memref<65536xf32, #tpu.memory_space<vmem>>[vector<16xi32>], vector<16xf32>, vector<16xi1>
      }
      %scan3A_47 = arith.constant 128 : i32
    }
    %scan3A_18 = arith.constant 32 : i32
    %mul3A_19 = arith.constant 65536 : i32
    %mul3A_20 = arith.muli %add3A_5, %mul3A_19 : i32
    "tpu.region"() ({
      %run_scoped3A = tpu.sem_alloc : memref<!tpu.dma_semaphore, #tpu.memory_space<semaphore_mem>>
      %dma_start3A = tpu.memref_slice %arg4[%mul3A_20] : memref<4194304xf32, #tpu.memory_space<hbm>> -> memref<65536xf32, #tpu.memory_space<hbm>>
      %dma_start3A_39 = tpu.memref_slice %arg4[%mul3A_20] : memref<4194304xf32, #tpu.memory_space<hbm>> -> memref<65536xf32, #tpu.memory_space<hbm>>
      tpu.enqueue_dma source(%arg5 : memref<65536xf32, #tpu.memory_space<vmem>>) target(%dma_start3A_39 : memref<65536xf32, #tpu.memory_space<hbm>>) target_semaphore(%run_scoped3A : memref<!tpu.dma_semaphore, #tpu.memory_space<semaphore_mem>>)
      %dma_wait3A = tpu.memref_slice %arg4[%mul3A_20] : memref<4194304xf32, #tpu.memory_space<hbm>> -> memref<65536xf32, #tpu.memory_space<hbm>>
      %dma_wait3A_40 = tpu.memref_slice %arg4[%mul3A_20] : memref<4194304xf32, #tpu.memory_space<hbm>> -> memref<65536xf32, #tpu.memory_space<hbm>>
      tpu.wait_dma2 semaphore(%run_scoped3A : memref<!tpu.dma_semaphore, #tpu.memory_space<semaphore_mem>>) src(%arg5 : memref<65536xf32, #tpu.memory_space<vmem>>) dst(%dma_wait3A_40 : memref<65536xf32, #tpu.memory_space<hbm>>)
      tpu.yield
    }) : () -> ()
    %add3A_21 = arith.constant 32 : i32
    %add3A_22 = arith.addi %add3A_21, %add3A : i32
    %mul3A_23 = arith.constant 32 : i32
    %mul3A_24 = arith.muli %add3A_22, %mul3A_23 : i32
    %scan3A_25 = arith.constant 0 : i32
    %scan3A_26 = arith.constant 0 : i32
    %scan3A_27 = arith.constant 4096 : i32
    %scan3A_28 = arith.addi %scan3A_26, %scan3A_27 : i32
    %scan3A_29 = arith.constant 1 : i32
    scf.for %scan3A_39 = %scan3A_26 to %scan3A_28 step %scan3A_29  : i32 {
      %mul3A_40 = arith.constant 16 : i32
      %mul3A_41 = arith.muli %scan3A_39, %mul3A_40 : i32
      %swap3A = arith.index_cast %mul3A_41 : i32 to index
      %swap3A_42 = tpu.vector_load %arg5[%swap3A] {strides = array<i32>} : memref<65536xf32, #tpu.memory_space<vmem>>, vector<16xf32>,
      tpu.vector_store %arg5[%swap3A], %broadcast_in_dim3A_1 {strides = array<i32>} : memref<65536xf32, #tpu.memory_space<vmem>>, vector<16xf32>,
    }
    %scan3A_30 = arith.constant 4096 : i32
    %scan3A_31 = arith.constant 0 : i32
    %scan3A_32 = arith.constant 0 : i32
    %scan3A_33 = arith.constant 32 : i32
    %scan3A_34 = arith.addi %scan3A_32, %scan3A_33 : i32
    %scan3A_35 = arith.constant 1 : i32
    scf.for %scan3A_39 = %scan3A_32 to %scan3A_34 step %scan3A_35  : i32 {
      %mul3A_40 = arith.constant 2048 : i32
      %mul3A_41 = arith.muli %scan3A_39, %mul3A_40 : i32
      "tpu.region"() ({
        %run_scoped3A = tpu.sem_alloc : memref<!tpu.dma_semaphore, #tpu.memory_space<semaphore_mem>>
        %dma_start3A = tpu.memref_slice %arg2[%mul3A_41] : memref<65536xi32, #tpu.memory_space<hbm>> -> memref<2048xi32, #tpu.memory_space<hbm>>
        %dma_start3A_48 = tpu.memref_slice %arg2[%mul3A_41] : memref<65536xi32, #tpu.memory_space<hbm>> -> memref<2048xi32, #tpu.memory_space<hbm>>
        tpu.enqueue_dma source(%dma_start3A_48 : memref<2048xi32, #tpu.memory_space<hbm>>) target(%arg6 : memref<2048xi32, #tpu.memory_space<vmem>>) target_semaphore(%run_scoped3A : memref<!tpu.dma_semaphore, #tpu.memory_space<semaphore_mem>>)
        %dma_wait3A = tpu.memref_slice %arg2[%mul3A_41] : memref<65536xi32, #tpu.memory_space<hbm>> -> memref<2048xi32, #tpu.memory_space<hbm>>
        %dma_wait3A_49 = tpu.memref_slice %arg2[%mul3A_41] : memref<65536xi32, #tpu.memory_space<hbm>> -> memref<2048xi32, #tpu.memory_space<hbm>>
        tpu.wait_dma2 semaphore(%run_scoped3A : memref<!tpu.dma_semaphore, #tpu.memory_space<semaphore_mem>>) src(%dma_wait3A_49 : memref<2048xi32, #tpu.memory_space<hbm>>) dst(%arg6 : memref<2048xi32, #tpu.memory_space<vmem>>)
        tpu.yield
      }) : () -> ()
      "tpu.region"() ({
        %run_scoped3A = tpu.sem_alloc : memref<!tpu.dma_semaphore, #tpu.memory_space<semaphore_mem>>
        %dma_start3A = tpu.memref_slice %arg3[%mul3A_41] : memref<65536xi32, #tpu.memory_space<hbm>> -> memref<2048xi32, #tpu.memory_space<hbm>>
        %dma_start3A_48 = tpu.memref_slice %arg3[%mul3A_41] : memref<65536xi32, #tpu.memory_space<hbm>> -> memref<2048xi32, #tpu.memory_space<hbm>>
        tpu.enqueue_dma source(%dma_start3A_48 : memref<2048xi32, #tpu.memory_space<hbm>>) target(%arg7 : memref<2048xi32, #tpu.memory_space<vmem>>) target_semaphore(%run_scoped3A : memref<!tpu.dma_semaphore, #tpu.memory_space<semaphore_mem>>)
        %dma_wait3A = tpu.memref_slice %arg3[%mul3A_41] : memref<65536xi32, #tpu.memory_space<hbm>> -> memref<2048xi32, #tpu.memory_space<hbm>>
        %dma_wait3A_49 = tpu.memref_slice %arg3[%mul3A_41] : memref<65536xi32, #tpu.memory_space<hbm>> -> memref<2048xi32, #tpu.memory_space<hbm>>
        tpu.wait_dma2 semaphore(%run_scoped3A : memref<!tpu.dma_semaphore, #tpu.memory_space<semaphore_mem>>) src(%dma_wait3A_49 : memref<2048xi32, #tpu.memory_space<hbm>>) dst(%arg7 : memref<2048xi32, #tpu.memory_space<vmem>>)
        tpu.yield
      }) : () -> ()
      %scan3A_42 = arith.constant 0 : i32
      %scan3A_43 = arith.constant 0 : i32
      %scan3A_44 = arith.constant 128 : i32
      %scan3A_45 = arith.addi %scan3A_43, %scan3A_44 : i32
      %scan3A_46 = arith.constant 1 : i32
      scf.for %scan3A_48 = %scan3A_43 to %scan3A_45 step %scan3A_46  : i32 {
        %mul3A_49 = arith.constant 16 : i32
        %mul3A_50 = arith.muli %scan3A_48, %mul3A_49 : i32
        %get3A = arith.index_cast %mul3A_50 : i32 to index
        %get3A_51 = tpu.vector_load %arg6[%get3A] {strides = array<i32>} : memref<2048xi32, #tpu.memory_space<vmem>>, vector<16xi32>,
        %mul3A_52 = arith.constant 16 : i32
        %mul3A_53 = arith.muli %scan3A_48, %mul3A_52 : i32
        %get3A_54 = arith.index_cast %mul3A_53 : i32 to index
        %get3A_55 = tpu.vector_load %arg7[%get3A_54] {strides = array<i32>} : memref<2048xi32, #tpu.memory_space<vmem>>, vector<16xi32>,
        %shift_right_logical3A = arith.constant 5 : i32
        %shift_right_logical3A_56 = vector.broadcast %shift_right_logical3A : i32 to vector<16xi32>
        %shift_right_logical3A_57 = arith.shrui %get3A_51, %shift_right_logical3A_56 : vector<16xi32>
        %eq3A = vector.broadcast %add3A_22 : i32 to vector<16xi32>
        %eq3A_58 = arith.cmpi eq, %shift_right_logical3A_57, %eq3A : vector<16xi32>
        %sub3A = vector.broadcast %mul3A_24 : i32 to vector<16xi32>
        %sub3A_59 = arith.subi %get3A_51, %sub3A : vector<16xi32>
        %shift_left3A = arith.constant 11 : i32
        %shift_left3A_60 = vector.broadcast %shift_left3A : i32 to vector<16xi32>
        %shift_left3A_61 = arith.shli %sub3A_59, %shift_left3A_60 : vector<16xi32>
        %add3A_62 = arith.addi %shift_left3A_61, %get3A_55 : vector<16xi32>
        %jit3A = arith.constant 0 : i32
        %broadcast_in_dim3A_63 = vector.broadcast %jit3A : i32 to vector<16xi32>
        %select_n3A = arith.select %eq3A_58, %add3A_62, %broadcast_in_dim3A_63 : vector<16xi1>, vector<16xi32>
        tpu.vector_store_idx %arg5[%select_n3A], %broadcast_in_dim3A_3 masked %eq3A_58 {add = true} : memref<65536xf32, #tpu.memory_space<vmem>>[vector<16xi32>], vector<16xf32>, vector<16xi1>
      }
      %scan3A_47 = arith.constant 128 : i32
    }
    %scan3A_36 = arith.constant 32 : i32
    %mul3A_37 = arith.constant 65536 : i32
    %mul3A_38 = arith.muli %add3A_22, %mul3A_37 : i32
    "tpu.region"() ({
      %run_scoped3A = tpu.sem_alloc : memref<!tpu.dma_semaphore, #tpu.memory_space<semaphore_mem>>
      %dma_start3A = tpu.memref_slice %arg4[%mul3A_38] : memref<4194304xf32, #tpu.memory_space<hbm>> -> memref<65536xf32, #tpu.memory_space<hbm>>
      %dma_start3A_39 = tpu.memref_slice %arg4[%mul3A_38] : memref<4194304xf32, #tpu.memory_space<hbm>> -> memref<65536xf32, #tpu.memory_space<hbm>>
      tpu.enqueue_dma source(%arg5 : memref<65536xf32, #tpu.memory_space<vmem>>) target(%dma_start3A_39 : memref<65536xf32, #tpu.memory_space<hbm>>) target_semaphore(%run_scoped3A : memref<!tpu.dma_semaphore, #tpu.memory_space<semaphore_mem>>)
      %dma_wait3A = tpu.memref_slice %arg4[%mul3A_38] : memref<4194304xf32, #tpu.memory_space<hbm>> -> memref<65536xf32, #tpu.memory_space<hbm>>
      %dma_wait3A_40 = tpu.memref_slice %arg4[%mul3A_38] : memref<4194304xf32, #tpu.memory_space<hbm>> -> memref<65536xf32, #tpu.memory_space<hbm>>
      tpu.wait_dma2 semaphore(%run_scoped3A : memref<!tpu.dma_semaphore, #tpu.memory_space<semaphore_mem>>) src(%arg5 : memref<65536xf32, #tpu.memory_space<vmem>>) dst(%dma_wait3A_40 : memref<65536xf32, #tpu.memory_space<hbm>>)
      tpu.yield
    }) : () -> ()
    return
  }
}

module attributes {stable_mosaic.version = 14 : i64} {
  func.func @_mm_body(%arg0: memref<2048x2048xbf16, #tpu.memory_space<vmem>>, %arg1: memref<2048x2048xbf16, #tpu.memory_space<vmem>>, %arg2: memref<2048x2048xbf16, #tpu.memory_space<vmem>>) attributes {dimension_semantics = [], scalar_prefetch = 0 : i64, scratch_operands = 0 : i64, tpu.core_type = #tpu.core_type<tc>} {
    %get3A = arith.constant 0 : index
    %get3A_0 = arith.constant 0 : index
    %get3A_1 = vector.load %arg0[%get3A, %get3A_0] : memref<2048x2048xbf16, #tpu.memory_space<vmem>>, vector<2048x2048xbf16>
    %dot_general3A = arith.constant dense<0.000000e+00> : vector<2048x2048xf32>
    %dot_general3A_2 = tpu.matmul %get3A_1, %get3A_1, %dot_general3A {dimension_numbers = #tpu.dot_dimension_numbers<[1], [1], [0], [0], [0, 0, 1, 0], [], []>, transpose_lhs_hint = false} : vector<2048x2048xbf16>, vector<2048x2048xbf16>, vector<2048x2048xf32> -> vector<2048x2048xf32>
    %convert_element_type3A = arith.truncf %dot_general3A_2 : vector<2048x2048xf32> to vector<2048x2048xbf16>
    %convert_element_type3A_3 = arith.extf %convert_element_type3A : vector<2048x2048xbf16> to vector<2048x2048xf32>
    %sub3A = arith.subf %dot_general3A_2, %convert_element_type3A_3 : vector<2048x2048xf32>
    %convert_element_type3A_4 = arith.truncf %sub3A : vector<2048x2048xf32> to vector<2048x2048xbf16>
    %swap3A = arith.constant 0 : index
    %swap3A_5 = arith.constant 0 : index
    %swap3A_6 = vector.load %arg1[%swap3A, %swap3A_5] : memref<2048x2048xbf16, #tpu.memory_space<vmem>>, vector<2048x2048xbf16>
    tpu.vector_store %arg1[%swap3A, %swap3A_5], %convert_element_type3A {strides = array<i32>} : memref<2048x2048xbf16, #tpu.memory_space<vmem>>, vector<2048x2048xbf16>,
    %swap3A_7 = arith.constant 0 : index
    %swap3A_8 = arith.constant 0 : index
    %swap3A_9 = vector.load %arg2[%swap3A_7, %swap3A_8] : memref<2048x2048xbf16, #tpu.memory_space<vmem>>, vector<2048x2048xbf16>
    tpu.vector_store %arg2[%swap3A_7, %swap3A_8], %convert_element_type3A_4 {strides = array<i32>} : memref<2048x2048xbf16, #tpu.memory_space<vmem>>, vector<2048x2048xbf16>,
    return
  }
}

module attributes {stable_mosaic.version = 14 : i64} {
  func.func @_subspace_body(%arg0: i32, %arg1: memref<2048x2048xbf16, #tpu.memory_space<vmem>>, %arg2: memref<2048x2048xbf16, #tpu.memory_space<vmem>>, %arg3: memref<2048x128xf32, #tpu.memory_space<vmem>>, %arg4: memref<2048x128xf32, #tpu.memory_space<vmem>>, %arg5: memref<2048x128xf32, #tpu.memory_space<vmem>>) attributes {dimension_semantics = [#tpu.dimension_semantics<arbitrary>], iteration_bounds = array<i64: 30>, scalar_prefetch = 0 : i64, scratch_operands = 1 : i64, tpu.core_type = #tpu.core_type<tc>, window_params = [{pipeline_mode = #tpu.pipeline_mode<synchronous>, transform_indices = @transform_0, window_bounds = array<i64: 2048, 2048>}, {pipeline_mode = #tpu.pipeline_mode<synchronous>, transform_indices = @transform_1, window_bounds = array<i64: 2048, 2048>}, {pipeline_mode = #tpu.pipeline_mode<synchronous>, transform_indices = @transform_2, window_bounds = array<i64: 2048, 128>}, {pipeline_mode = #tpu.pipeline_mode<synchronous>, transform_indices = @transform_3, window_bounds = array<i64: 2048, 128>}]} {
    %eq3A = arith.constant 0 : i32
    %eq3A_0 = arith.cmpi eq, %arg0, %eq3A : i32
    %convert_element_type3A = arith.extui %eq3A_0 : i1 to i32
    %cond3A = arith.constant 0 : i32
    %cond3A_1 = arith.cmpi ne, %convert_element_type3A, %cond3A : i32
    scf.if %cond3A_1 {
      %get3A_254 = arith.constant 0 : index
      %get3A_255 = arith.constant 0 : index
      %get3A_256 = vector.load %arg3[%get3A_254, %get3A_255] : memref<2048x128xf32, #tpu.memory_space<vmem>>, vector<2048x128xf32>
      %swap3A_257 = arith.constant 0 : index
      %swap3A_258 = arith.constant 0 : index
      %swap3A_259 = vector.load %arg5[%swap3A_257, %swap3A_258] : memref<2048x128xf32, #tpu.memory_space<vmem>>, vector<2048x128xf32>
      tpu.vector_store %arg5[%swap3A_257, %swap3A_258], %get3A_256 {strides = array<i32>} : memref<2048x128xf32, #tpu.memory_space<vmem>>, vector<2048x128xf32>,
    } else {
    }
    %iota3A = tpu.iota {dimensions = array<i32: 0>} : vector<128x128xi32>
    %iota3A_2 = tpu.iota {dimensions = array<i32: 1>} : vector<128x128xi32>
    %add3A = arith.constant 0 : i32
    %add3A_3 = vector.broadcast %add3A : i32 to vector<128x128xi32>
    %add3A_4 = arith.addi %iota3A, %add3A_3 : vector<128x128xi32>
    %eq3A_5 = arith.cmpi eq, %add3A_4, %iota3A_2 : vector<128x128xi32>
    %convert_element_type3A_6 = arith.extui %eq3A_5 : vector<128x128xi1> to vector<128x128xi32>
    %convert_element_type3A_7 = arith.sitofp %convert_element_type3A_6 : vector<128x128xi32> to vector<128x128xf32>
    %get3A = arith.constant 0 : index
    %get3A_8 = arith.constant 0 : index
    %get3A_9 = vector.load %arg5[%get3A, %get3A_8] : memref<2048x128xf32, #tpu.memory_space<vmem>>, vector<2048x128xf32>
    %convert_element_type3A_10 = arith.truncf %get3A_9 : vector<2048x128xf32> to vector<2048x128xbf16>
    %convert_element_type3A_11 = arith.extf %convert_element_type3A_10 : vector<2048x128xbf16> to vector<2048x128xf32>
    %sub3A = arith.subf %get3A_9, %convert_element_type3A_11 : vector<2048x128xf32>
    %convert_element_type3A_12 = arith.truncf %sub3A : vector<2048x128xf32> to vector<2048x128xbf16>
    %convert_element_type3A_13 = arith.extf %convert_element_type3A_12 : vector<2048x128xbf16> to vector<2048x128xf32>
    %sub3A_14 = arith.subf %sub3A, %convert_element_type3A_13 : vector<2048x128xf32>
    %convert_element_type3A_15 = arith.truncf %sub3A_14 : vector<2048x128xf32> to vector<2048x128xbf16>
    %get3A_16 = arith.constant 0 : index
    %get3A_17 = arith.constant 0 : index
    %get3A_18 = vector.load %arg1[%get3A_16, %get3A_17] : memref<2048x2048xbf16, #tpu.memory_space<vmem>>, vector<2048x2048xbf16>
    %dot_general3A = arith.constant dense<0.000000e+00> : vector<2048x128xf32>
    %dot_general3A_19 = tpu.matmul %get3A_18, %convert_element_type3A_10, %dot_general3A {dimension_numbers = #tpu.dot_dimension_numbers<[1], [0], [0], [1], [0, 0, 1, 1], [], []>, transpose_lhs_hint = false} : vector<2048x2048xbf16>, vector<2048x128xbf16>, vector<2048x128xf32> -> vector<2048x128xf32>
    %get3A_20 = arith.constant 0 : index
    %get3A_21 = arith.constant 0 : index
    %get3A_22 = vector.load %arg2[%get3A_20, %get3A_21] : memref<2048x2048xbf16, #tpu.memory_space<vmem>>, vector<2048x2048xbf16>
    %dot_general3A_23 = arith.constant dense<0.000000e+00> : vector<2048x128xf32>
    %dot_general3A_24 = tpu.matmul %get3A_22, %convert_element_type3A_10, %dot_general3A_23 {dimension_numbers = #tpu.dot_dimension_numbers<[1], [0], [0], [1], [0, 0, 1, 1], [], []>, transpose_lhs_hint = false} : vector<2048x2048xbf16>, vector<2048x128xbf16>, vector<2048x128xf32> -> vector<2048x128xf32>
    %add3A_25 = arith.addf %dot_general3A_19, %dot_general3A_24 : vector<2048x128xf32>
    %dot_general3A_26 = arith.constant dense<0.000000e+00> : vector<2048x128xf32>
    %dot_general3A_27 = tpu.matmul %get3A_18, %convert_element_type3A_12, %dot_general3A_26 {dimension_numbers = #tpu.dot_dimension_numbers<[1], [0], [0], [1], [0, 0, 1, 1], [], []>, transpose_lhs_hint = false} : vector<2048x2048xbf16>, vector<2048x128xbf16>, vector<2048x128xf32> -> vector<2048x128xf32>
    %dot_general3A_28 = arith.constant dense<0.000000e+00> : vector<2048x128xf32>
    %dot_general3A_29 = tpu.matmul %get3A_18, %convert_element_type3A_15, %dot_general3A_28 {dimension_numbers = #tpu.dot_dimension_numbers<[1], [0], [0], [1], [0, 0, 1, 1], [], []>, transpose_lhs_hint = false} : vector<2048x2048xbf16>, vector<2048x128xbf16>, vector<2048x128xf32> -> vector<2048x128xf32>
    %add3A_30 = arith.addf %dot_general3A_27, %dot_general3A_29 : vector<2048x128xf32>
    %add3A_31 = arith.addf %add3A_25, %add3A_30 : vector<2048x128xf32>
    %transpose3A = tpu.transpose %add3A_31, [1, 0] : vector<2048x128xf32> -> vector<128x2048xf32>
    %dot_general3A_32 = arith.constant dense<0.000000e+00> : vector<128x128xf32>
    %dot_general3A_33 = tpu.matmul %transpose3A, %add3A_31, %dot_general3A_32 {dimension_numbers = #tpu.dot_dimension_numbers<[1], [0], [0], [1], [0, 0, 1, 1], [], []>, precision = #tpu.contract_precision<fp32>, transpose_lhs_hint = false} : vector<128x2048xf32>, vector<2048x128xf32>, vector<128x128xf32> -> vector<128x128xf32>
    %mul3A = arith.mulf %dot_general3A_33, %dot_general3A_33 : vector<128x128xf32>
    %reduce_sum3A = vector.shape_cast %mul3A : vector<128x128xf32> to vector<1x128x128xf32>
    %reduce_sum3A_34 = arith.constant dense<0.000000e+00> : vector<1xf32>
    %reduce_sum3A_35 = vector.multi_reduction <add>, %reduce_sum3A, %reduce_sum3A_34 [1, 2] : vector<1x128x128xf32> to vector<1xf32>
    %reduce_sum3A_36 = vector.shape_cast %reduce_sum3A_35 : vector<1xf32> to vector<1x1x1xf32>
    %reduce_sum3A_37 = vector.extract %reduce_sum3A_36[0, 0, 0] : f32 from vector<1x1x1xf32>
    %sqrt3A = math.sqrt %reduce_sum3A_37 : f32
    %div3A = vector.broadcast %sqrt3A : f32 to vector<128x128xf32>
    %div3A_38 = arith.divf %dot_general3A_33, %div3A : vector<128x128xf32>
    %mul3A_39 = arith.constant 1.500000e+00 : f32
    %mul3A_40 = vector.broadcast %mul3A_39 : f32 to vector<128x128xf32>
    %mul3A_41 = arith.mulf %mul3A_40, %convert_element_type3A_7 : vector<128x128xf32>
    %dot_general3A_42 = arith.constant dense<0.000000e+00> : vector<128x128xf32>
    %dot_general3A_43 = tpu.matmul %convert_element_type3A_7, %div3A_38, %dot_general3A_42 {dimension_numbers = #tpu.dot_dimension_numbers<[1], [0], [0], [1], [0, 0, 1, 1], [], []>, precision = #tpu.contract_precision<fp32>, transpose_lhs_hint = false} : vector<128x128xf32>, vector<128x128xf32>, vector<128x128xf32> -> vector<128x128xf32>
    %mul3A_44 = arith.constant 5.000000e-01 : f32
    %mul3A_45 = vector.broadcast %mul3A_44 : f32 to vector<128x128xf32>
    %mul3A_46 = arith.mulf %mul3A_45, %dot_general3A_43 : vector<128x128xf32>
    %sub3A_47 = arith.subf %mul3A_41, %mul3A_46 : vector<128x128xf32>
    %dot_general3A_48 = arith.constant dense<0.000000e+00> : vector<128x128xf32>
    %dot_general3A_49 = tpu.matmul %div3A_38, %sub3A_47, %dot_general3A_48 {dimension_numbers = #tpu.dot_dimension_numbers<[1], [0], [0], [1], [0, 0, 1, 1], [], []>, precision = #tpu.contract_precision<fp32>, transpose_lhs_hint = false} : vector<128x128xf32>, vector<128x128xf32>, vector<128x128xf32> -> vector<128x128xf32>
    %dot_general3A_50 = arith.constant dense<0.000000e+00> : vector<128x128xf32>
    %dot_general3A_51 = tpu.matmul %sub3A_47, %convert_element_type3A_7, %dot_general3A_50 {dimension_numbers = #tpu.dot_dimension_numbers<[1], [0], [0], [1], [0, 0, 1, 1], [], []>, precision = #tpu.contract_precision<fp32>, transpose_lhs_hint = false} : vector<128x128xf32>, vector<128x128xf32>, vector<128x128xf32> -> vector<128x128xf32>
    %mul3A_52 = arith.constant 1.500000e+00 : f32
    %mul3A_53 = vector.broadcast %mul3A_52 : f32 to vector<128x128xf32>
    %mul3A_54 = arith.mulf %mul3A_53, %convert_element_type3A_7 : vector<128x128xf32>
    %dot_general3A_55 = arith.constant dense<0.000000e+00> : vector<128x128xf32>
    %dot_general3A_56 = tpu.matmul %dot_general3A_51, %dot_general3A_49, %dot_general3A_55 {dimension_numbers = #tpu.dot_dimension_numbers<[1], [0], [0], [1], [0, 0, 1, 1], [], []>, precision = #tpu.contract_precision<fp32>, transpose_lhs_hint = false} : vector<128x128xf32>, vector<128x128xf32>, vector<128x128xf32> -> vector<128x128xf32>
    %mul3A_57 = arith.constant 5.000000e-01 : f32
    %mul3A_58 = vector.broadcast %mul3A_57 : f32 to vector<128x128xf32>
    %mul3A_59 = arith.mulf %mul3A_58, %dot_general3A_56 : vector<128x128xf32>
    %sub3A_60 = arith.subf %mul3A_54, %mul3A_59 : vector<128x128xf32>
    %dot_general3A_61 = arith.constant dense<0.000000e+00> : vector<128x128xf32>
    %dot_general3A_62 = tpu.matmul %dot_general3A_49, %sub3A_60, %dot_general3A_61 {dimension_numbers = #tpu.dot_dimension_numbers<[1], [0], [0], [1], [0, 0, 1, 1], [], []>, precision = #tpu.contract_precision<fp32>, transpose_lhs_hint = false} : vector<128x128xf32>, vector<128x128xf32>, vector<128x128xf32> -> vector<128x128xf32>
    %dot_general3A_63 = arith.constant dense<0.000000e+00> : vector<128x128xf32>
    %dot_general3A_64 = tpu.matmul %sub3A_60, %dot_general3A_51, %dot_general3A_63 {dimension_numbers = #tpu.dot_dimension_numbers<[1], [0], [0], [1], [0, 0, 1, 1], [], []>, precision = #tpu.contract_precision<fp32>, transpose_lhs_hint = false} : vector<128x128xf32>, vector<128x128xf32>, vector<128x128xf32> -> vector<128x128xf32>
    %mul3A_65 = arith.constant 1.500000e+00 : f32
    %mul3A_66 = vector.broadcast %mul3A_65 : f32 to vector<128x128xf32>
    %mul3A_67 = arith.mulf %mul3A_66, %convert_element_type3A_7 : vector<128x128xf32>
    %dot_general3A_68 = arith.constant dense<0.000000e+00> : vector<128x128xf32>
    %dot_general3A_69 = tpu.matmul %dot_general3A_64, %dot_general3A_62, %dot_general3A_68 {dimension_numbers = #tpu.dot_dimension_numbers<[1], [0], [0], [1], [0, 0, 1, 1], [], []>, precision = #tpu.contract_precision<fp32>, transpose_lhs_hint = false} : vector<128x128xf32>, vector<128x128xf32>, vector<128x128xf32> -> vector<128x128xf32>
    %mul3A_70 = arith.constant 5.000000e-01 : f32
    %mul3A_71 = vector.broadcast %mul3A_70 : f32 to vector<128x128xf32>
    %mul3A_72 = arith.mulf %mul3A_71, %dot_general3A_69 : vector<128x128xf32>
    %sub3A_73 = arith.subf %mul3A_67, %mul3A_72 : vector<128x128xf32>
    %dot_general3A_74 = arith.constant dense<0.000000e+00> : vector<128x128xf32>
    %dot_general3A_75 = tpu.matmul %dot_general3A_62, %sub3A_73, %dot_general3A_74 {dimension_numbers = #tpu.dot_dimension_numbers<[1], [0], [0], [1], [0, 0, 1, 1], [], []>, precision = #tpu.contract_precision<fp32>, transpose_lhs_hint = false} : vector<128x128xf32>, vector<128x128xf32>, vector<128x128xf32> -> vector<128x128xf32>
    %dot_general3A_76 = arith.constant dense<0.000000e+00> : vector<128x128xf32>
    %dot_general3A_77 = tpu.matmul %sub3A_73, %dot_general3A_64, %dot_general3A_76 {dimension_numbers = #tpu.dot_dimension_numbers<[1], [0], [0], [1], [0, 0, 1, 1], [], []>, precision = #tpu.contract_precision<fp32>, transpose_lhs_hint = false} : vector<128x128xf32>, vector<128x128xf32>, vector<128x128xf32> -> vector<128x128xf32>
    %mul3A_78 = arith.constant 1.500000e+00 : f32
    %mul3A_79 = vector.broadcast %mul3A_78 : f32 to vector<128x128xf32>
    %mul3A_80 = arith.mulf %mul3A_79, %convert_element_type3A_7 : vector<128x128xf32>
    %dot_general3A_81 = arith.constant dense<0.000000e+00> : vector<128x128xf32>
    %dot_general3A_82 = tpu.matmul %dot_general3A_77, %dot_general3A_75, %dot_general3A_81 {dimension_numbers = #tpu.dot_dimension_numbers<[1], [0], [0], [1], [0, 0, 1, 1], [], []>, precision = #tpu.contract_precision<fp32>, transpose_lhs_hint = false} : vector<128x128xf32>, vector<128x128xf32>, vector<128x128xf32> -> vector<128x128xf32>
    %mul3A_83 = arith.constant 5.000000e-01 : f32
    %mul3A_84 = vector.broadcast %mul3A_83 : f32 to vector<128x128xf32>
    %mul3A_85 = arith.mulf %mul3A_84, %dot_general3A_82 : vector<128x128xf32>
    %sub3A_86 = arith.subf %mul3A_80, %mul3A_85 : vector<128x128xf32>
    %dot_general3A_87 = arith.constant dense<0.000000e+00> : vector<128x128xf32>
    %dot_general3A_88 = tpu.matmul %dot_general3A_75, %sub3A_86, %dot_general3A_87 {dimension_numbers = #tpu.dot_dimension_numbers<[1], [0], [0], [1], [0, 0, 1, 1], [], []>, precision = #tpu.contract_precision<fp32>, transpose_lhs_hint = false} : vector<128x128xf32>, vector<128x128xf32>, vector<128x128xf32> -> vector<128x128xf32>
    %dot_general3A_89 = arith.constant dense<0.000000e+00> : vector<128x128xf32>
    %dot_general3A_90 = tpu.matmul %sub3A_86, %dot_general3A_77, %dot_general3A_89 {dimension_numbers = #tpu.dot_dimension_numbers<[1], [0], [0], [1], [0, 0, 1, 1], [], []>, precision = #tpu.contract_precision<fp32>, transpose_lhs_hint = false} : vector<128x128xf32>, vector<128x128xf32>, vector<128x128xf32> -> vector<128x128xf32>
    %mul3A_91 = arith.constant 1.500000e+00 : f32
    %mul3A_92 = vector.broadcast %mul3A_91 : f32 to vector<128x128xf32>
    %mul3A_93 = arith.mulf %mul3A_92, %convert_element_type3A_7 : vector<128x128xf32>
    %dot_general3A_94 = arith.constant dense<0.000000e+00> : vector<128x128xf32>
    %dot_general3A_95 = tpu.matmul %dot_general3A_90, %dot_general3A_88, %dot_general3A_94 {dimension_numbers = #tpu.dot_dimension_numbers<[1], [0], [0], [1], [0, 0, 1, 1], [], []>, precision = #tpu.contract_precision<fp32>, transpose_lhs_hint = false} : vector<128x128xf32>, vector<128x128xf32>, vector<128x128xf32> -> vector<128x128xf32>
    %mul3A_96 = arith.constant 5.000000e-01 : f32
    %mul3A_97 = vector.broadcast %mul3A_96 : f32 to vector<128x128xf32>
    %mul3A_98 = arith.mulf %mul3A_97, %dot_general3A_95 : vector<128x128xf32>
    %sub3A_99 = arith.subf %mul3A_93, %mul3A_98 : vector<128x128xf32>
    %dot_general3A_100 = arith.constant dense<0.000000e+00> : vector<128x128xf32>
    %dot_general3A_101 = tpu.matmul %dot_general3A_88, %sub3A_99, %dot_general3A_100 {dimension_numbers = #tpu.dot_dimension_numbers<[1], [0], [0], [1], [0, 0, 1, 1], [], []>, precision = #tpu.contract_precision<fp32>, transpose_lhs_hint = false} : vector<128x128xf32>, vector<128x128xf32>, vector<128x128xf32> -> vector<128x128xf32>
    %dot_general3A_102 = arith.constant dense<0.000000e+00> : vector<128x128xf32>
    %dot_general3A_103 = tpu.matmul %sub3A_99, %dot_general3A_90, %dot_general3A_102 {dimension_numbers = #tpu.dot_dimension_numbers<[1], [0], [0], [1], [0, 0, 1, 1], [], []>, precision = #tpu.contract_precision<fp32>, transpose_lhs_hint = false} : vector<128x128xf32>, vector<128x128xf32>, vector<128x128xf32> -> vector<128x128xf32>
    %mul3A_104 = arith.constant 1.500000e+00 : f32
    %mul3A_105 = vector.broadcast %mul3A_104 : f32 to vector<128x128xf32>
    %mul3A_106 = arith.mulf %mul3A_105, %convert_element_type3A_7 : vector<128x128xf32>
    %dot_general3A_107 = arith.constant dense<0.000000e+00> : vector<128x128xf32>
    %dot_general3A_108 = tpu.matmul %dot_general3A_103, %dot_general3A_101, %dot_general3A_107 {dimension_numbers = #tpu.dot_dimension_numbers<[1], [0], [0], [1], [0, 0, 1, 1], [], []>, precision = #tpu.contract_precision<fp32>, transpose_lhs_hint = false} : vector<128x128xf32>, vector<128x128xf32>, vector<128x128xf32> -> vector<128x128xf32>
    %mul3A_109 = arith.constant 5.000000e-01 : f32
    %mul3A_110 = vector.broadcast %mul3A_109 : f32 to vector<128x128xf32>
    %mul3A_111 = arith.mulf %mul3A_110, %dot_general3A_108 : vector<128x128xf32>
    %sub3A_112 = arith.subf %mul3A_106, %mul3A_111 : vector<128x128xf32>
    %dot_general3A_113 = arith.constant dense<0.000000e+00> : vector<128x128xf32>
    %dot_general3A_114 = tpu.matmul %dot_general3A_101, %sub3A_112, %dot_general3A_113 {dimension_numbers = #tpu.dot_dimension_numbers<[1], [0], [0], [1], [0, 0, 1, 1], [], []>, precision = #tpu.contract_precision<fp32>, transpose_lhs_hint = false} : vector<128x128xf32>, vector<128x128xf32>, vector<128x128xf32> -> vector<128x128xf32>
    %dot_general3A_115 = arith.constant dense<0.000000e+00> : vector<128x128xf32>
    %dot_general3A_116 = tpu.matmul %sub3A_112, %dot_general3A_103, %dot_general3A_115 {dimension_numbers = #tpu.dot_dimension_numbers<[1], [0], [0], [1], [0, 0, 1, 1], [], []>, precision = #tpu.contract_precision<fp32>, transpose_lhs_hint = false} : vector<128x128xf32>, vector<128x128xf32>, vector<128x128xf32> -> vector<128x128xf32>
    %mul3A_117 = arith.constant 1.500000e+00 : f32
    %mul3A_118 = vector.broadcast %mul3A_117 : f32 to vector<128x128xf32>
    %mul3A_119 = arith.mulf %mul3A_118, %convert_element_type3A_7 : vector<128x128xf32>
    %dot_general3A_120 = arith.constant dense<0.000000e+00> : vector<128x128xf32>
    %dot_general3A_121 = tpu.matmul %dot_general3A_116, %dot_general3A_114, %dot_general3A_120 {dimension_numbers = #tpu.dot_dimension_numbers<[1], [0], [0], [1], [0, 0, 1, 1], [], []>, precision = #tpu.contract_precision<fp32>, transpose_lhs_hint = false} : vector<128x128xf32>, vector<128x128xf32>, vector<128x128xf32> -> vector<128x128xf32>
    %mul3A_122 = arith.constant 5.000000e-01 : f32
    %mul3A_123 = vector.broadcast %mul3A_122 : f32 to vector<128x128xf32>
    %mul3A_124 = arith.mulf %mul3A_123, %dot_general3A_121 : vector<128x128xf32>
    %sub3A_125 = arith.subf %mul3A_119, %mul3A_124 : vector<128x128xf32>
    %dot_general3A_126 = arith.constant dense<0.000000e+00> : vector<128x128xf32>
    %dot_general3A_127 = tpu.matmul %dot_general3A_114, %sub3A_125, %dot_general3A_126 {dimension_numbers = #tpu.dot_dimension_numbers<[1], [0], [0], [1], [0, 0, 1, 1], [], []>, precision = #tpu.contract_precision<fp32>, transpose_lhs_hint = false} : vector<128x128xf32>, vector<128x128xf32>, vector<128x128xf32> -> vector<128x128xf32>
    %dot_general3A_128 = arith.constant dense<0.000000e+00> : vector<128x128xf32>
    %dot_general3A_129 = tpu.matmul %sub3A_125, %dot_general3A_116, %dot_general3A_128 {dimension_numbers = #tpu.dot_dimension_numbers<[1], [0], [0], [1], [0, 0, 1, 1], [], []>, precision = #tpu.contract_precision<fp32>, transpose_lhs_hint = false} : vector<128x128xf32>, vector<128x128xf32>, vector<128x128xf32> -> vector<128x128xf32>
    %mul3A_130 = arith.constant 1.500000e+00 : f32
    %mul3A_131 = vector.broadcast %mul3A_130 : f32 to vector<128x128xf32>
    %mul3A_132 = arith.mulf %mul3A_131, %convert_element_type3A_7 : vector<128x128xf32>
    %dot_general3A_133 = arith.constant dense<0.000000e+00> : vector<128x128xf32>
    %dot_general3A_134 = tpu.matmul %dot_general3A_129, %dot_general3A_127, %dot_general3A_133 {dimension_numbers = #tpu.dot_dimension_numbers<[1], [0], [0], [1], [0, 0, 1, 1], [], []>, precision = #tpu.contract_precision<fp32>, transpose_lhs_hint = false} : vector<128x128xf32>, vector<128x128xf32>, vector<128x128xf32> -> vector<128x128xf32>
    %mul3A_135 = arith.constant 5.000000e-01 : f32
    %mul3A_136 = vector.broadcast %mul3A_135 : f32 to vector<128x128xf32>
    %mul3A_137 = arith.mulf %mul3A_136, %dot_general3A_134 : vector<128x128xf32>
    %sub3A_138 = arith.subf %mul3A_132, %mul3A_137 : vector<128x128xf32>
    %dot_general3A_139 = arith.constant dense<0.000000e+00> : vector<128x128xf32>
    %dot_general3A_140 = tpu.matmul %dot_general3A_127, %sub3A_138, %dot_general3A_139 {dimension_numbers = #tpu.dot_dimension_numbers<[1], [0], [0], [1], [0, 0, 1, 1], [], []>, precision = #tpu.contract_precision<fp32>, transpose_lhs_hint = false} : vector<128x128xf32>, vector<128x128xf32>, vector<128x128xf32> -> vector<128x128xf32>
    %dot_general3A_141 = arith.constant dense<0.000000e+00> : vector<128x128xf32>
    %dot_general3A_142 = tpu.matmul %sub3A_138, %dot_general3A_129, %dot_general3A_141 {dimension_numbers = #tpu.dot_dimension_numbers<[1], [0], [0], [1], [0, 0, 1, 1], [], []>, precision = #tpu.contract_precision<fp32>, transpose_lhs_hint = false} : vector<128x128xf32>, vector<128x128xf32>, vector<128x128xf32> -> vector<128x128xf32>
    %mul3A_143 = arith.constant 1.500000e+00 : f32
    %mul3A_144 = vector.broadcast %mul3A_143 : f32 to vector<128x128xf32>
    %mul3A_145 = arith.mulf %mul3A_144, %convert_element_type3A_7 : vector<128x128xf32>
    %dot_general3A_146 = arith.constant dense<0.000000e+00> : vector<128x128xf32>
    %dot_general3A_147 = tpu.matmul %dot_general3A_142, %dot_general3A_140, %dot_general3A_146 {dimension_numbers = #tpu.dot_dimension_numbers<[1], [0], [0], [1], [0, 0, 1, 1], [], []>, precision = #tpu.contract_precision<fp32>, transpose_lhs_hint = false} : vector<128x128xf32>, vector<128x128xf32>, vector<128x128xf32> -> vector<128x128xf32>
    %mul3A_148 = arith.constant 5.000000e-01 : f32
    %mul3A_149 = vector.broadcast %mul3A_148 : f32 to vector<128x128xf32>
    %mul3A_150 = arith.mulf %mul3A_149, %dot_general3A_147 : vector<128x128xf32>
    %sub3A_151 = arith.subf %mul3A_145, %mul3A_150 : vector<128x128xf32>
    %dot_general3A_152 = arith.constant dense<0.000000e+00> : vector<128x128xf32>
    %dot_general3A_153 = tpu.matmul %dot_general3A_140, %sub3A_151, %dot_general3A_152 {dimension_numbers = #tpu.dot_dimension_numbers<[1], [0], [0], [1], [0, 0, 1, 1], [], []>, precision = #tpu.contract_precision<fp32>, transpose_lhs_hint = false} : vector<128x128xf32>, vector<128x128xf32>, vector<128x128xf32> -> vector<128x128xf32>
    %dot_general3A_154 = arith.constant dense<0.000000e+00> : vector<128x128xf32>
    %dot_general3A_155 = tpu.matmul %sub3A_151, %dot_general3A_142, %dot_general3A_154 {dimension_numbers = #tpu.dot_dimension_numbers<[1], [0], [0], [1], [0, 0, 1, 1], [], []>, precision = #tpu.contract_precision<fp32>, transpose_lhs_hint = false} : vector<128x128xf32>, vector<128x128xf32>, vector<128x128xf32> -> vector<128x128xf32>
    %mul3A_156 = arith.constant 1.500000e+00 : f32
    %mul3A_157 = vector.broadcast %mul3A_156 : f32 to vector<128x128xf32>
    %mul3A_158 = arith.mulf %mul3A_157, %convert_element_type3A_7 : vector<128x128xf32>
    %dot_general3A_159 = arith.constant dense<0.000000e+00> : vector<128x128xf32>
    %dot_general3A_160 = tpu.matmul %dot_general3A_155, %dot_general3A_153, %dot_general3A_159 {dimension_numbers = #tpu.dot_dimension_numbers<[1], [0], [0], [1], [0, 0, 1, 1], [], []>, precision = #tpu.contract_precision<fp32>, transpose_lhs_hint = false} : vector<128x128xf32>, vector<128x128xf32>, vector<128x128xf32> -> vector<128x128xf32>
    %mul3A_161 = arith.constant 5.000000e-01 : f32
    %mul3A_162 = vector.broadcast %mul3A_161 : f32 to vector<128x128xf32>
    %mul3A_163 = arith.mulf %mul3A_162, %dot_general3A_160 : vector<128x128xf32>
    %sub3A_164 = arith.subf %mul3A_158, %mul3A_163 : vector<128x128xf32>
    %dot_general3A_165 = arith.constant dense<0.000000e+00> : vector<128x128xf32>
    %dot_general3A_166 = tpu.matmul %dot_general3A_153, %sub3A_164, %dot_general3A_165 {dimension_numbers = #tpu.dot_dimension_numbers<[1], [0], [0], [1], [0, 0, 1, 1], [], []>, precision = #tpu.contract_precision<fp32>, transpose_lhs_hint = false} : vector<128x128xf32>, vector<128x128xf32>, vector<128x128xf32> -> vector<128x128xf32>
    %dot_general3A_167 = arith.constant dense<0.000000e+00> : vector<128x128xf32>
    %dot_general3A_168 = tpu.matmul %sub3A_164, %dot_general3A_155, %dot_general3A_167 {dimension_numbers = #tpu.dot_dimension_numbers<[1], [0], [0], [1], [0, 0, 1, 1], [], []>, precision = #tpu.contract_precision<fp32>, transpose_lhs_hint = false} : vector<128x128xf32>, vector<128x128xf32>, vector<128x128xf32> -> vector<128x128xf32>
    %mul3A_169 = arith.constant 1.500000e+00 : f32
    %mul3A_170 = vector.broadcast %mul3A_169 : f32 to vector<128x128xf32>
    %mul3A_171 = arith.mulf %mul3A_170, %convert_element_type3A_7 : vector<128x128xf32>
    %dot_general3A_172 = arith.constant dense<0.000000e+00> : vector<128x128xf32>
    %dot_general3A_173 = tpu.matmul %dot_general3A_168, %dot_general3A_166, %dot_general3A_172 {dimension_numbers = #tpu.dot_dimension_numbers<[1], [0], [0], [1], [0, 0, 1, 1], [], []>, precision = #tpu.contract_precision<fp32>, transpose_lhs_hint = false} : vector<128x128xf32>, vector<128x128xf32>, vector<128x128xf32> -> vector<128x128xf32>
    %mul3A_174 = arith.constant 5.000000e-01 : f32
    %mul3A_175 = vector.broadcast %mul3A_174 : f32 to vector<128x128xf32>
    %mul3A_176 = arith.mulf %mul3A_175, %dot_general3A_173 : vector<128x128xf32>
    %sub3A_177 = arith.subf %mul3A_171, %mul3A_176 : vector<128x128xf32>
    %dot_general3A_178 = arith.constant dense<0.000000e+00> : vector<128x128xf32>
    %dot_general3A_179 = tpu.matmul %dot_general3A_166, %sub3A_177, %dot_general3A_178 {dimension_numbers = #tpu.dot_dimension_numbers<[1], [0], [0], [1], [0, 0, 1, 1], [], []>, precision = #tpu.contract_precision<fp32>, transpose_lhs_hint = false} : vector<128x128xf32>, vector<128x128xf32>, vector<128x128xf32> -> vector<128x128xf32>
    %dot_general3A_180 = arith.constant dense<0.000000e+00> : vector<128x128xf32>
    %dot_general3A_181 = tpu.matmul %sub3A_177, %dot_general3A_168, %dot_general3A_180 {dimension_numbers = #tpu.dot_dimension_numbers<[1], [0], [0], [1], [0, 0, 1, 1], [], []>, precision = #tpu.contract_precision<fp32>, transpose_lhs_hint = false} : vector<128x128xf32>, vector<128x128xf32>, vector<128x128xf32> -> vector<128x128xf32>
    %mul3A_182 = arith.constant 1.500000e+00 : f32
    %mul3A_183 = vector.broadcast %mul3A_182 : f32 to vector<128x128xf32>
    %mul3A_184 = arith.mulf %mul3A_183, %convert_element_type3A_7 : vector<128x128xf32>
    %dot_general3A_185 = arith.constant dense<0.000000e+00> : vector<128x128xf32>
    %dot_general3A_186 = tpu.matmul %dot_general3A_181, %dot_general3A_179, %dot_general3A_185 {dimension_numbers = #tpu.dot_dimension_numbers<[1], [0], [0], [1], [0, 0, 1, 1], [], []>, precision = #tpu.contract_precision<fp32>, transpose_lhs_hint = false} : vector<128x128xf32>, vector<128x128xf32>, vector<128x128xf32> -> vector<128x128xf32>
    %mul3A_187 = arith.constant 5.000000e-01 : f32
    %mul3A_188 = vector.broadcast %mul3A_187 : f32 to vector<128x128xf32>
    %mul3A_189 = arith.mulf %mul3A_188, %dot_general3A_186 : vector<128x128xf32>
    %sub3A_190 = arith.subf %mul3A_184, %mul3A_189 : vector<128x128xf32>
    %dot_general3A_191 = arith.constant dense<0.000000e+00> : vector<128x128xf32>
    %dot_general3A_192 = tpu.matmul %dot_general3A_179, %sub3A_190, %dot_general3A_191 {dimension_numbers = #tpu.dot_dimension_numbers<[1], [0], [0], [1], [0, 0, 1, 1], [], []>, precision = #tpu.contract_precision<fp32>, transpose_lhs_hint = false} : vector<128x128xf32>, vector<128x128xf32>, vector<128x128xf32> -> vector<128x128xf32>
    %dot_general3A_193 = arith.constant dense<0.000000e+00> : vector<128x128xf32>
    %dot_general3A_194 = tpu.matmul %sub3A_190, %dot_general3A_181, %dot_general3A_193 {dimension_numbers = #tpu.dot_dimension_numbers<[1], [0], [0], [1], [0, 0, 1, 1], [], []>, precision = #tpu.contract_precision<fp32>, transpose_lhs_hint = false} : vector<128x128xf32>, vector<128x128xf32>, vector<128x128xf32> -> vector<128x128xf32>
    %mul3A_195 = arith.constant 1.500000e+00 : f32
    %mul3A_196 = vector.broadcast %mul3A_195 : f32 to vector<128x128xf32>
    %mul3A_197 = arith.mulf %mul3A_196, %convert_element_type3A_7 : vector<128x128xf32>
    %dot_general3A_198 = arith.constant dense<0.000000e+00> : vector<128x128xf32>
    %dot_general3A_199 = tpu.matmul %dot_general3A_194, %dot_general3A_192, %dot_general3A_198 {dimension_numbers = #tpu.dot_dimension_numbers<[1], [0], [0], [1], [0, 0, 1, 1], [], []>, precision = #tpu.contract_precision<fp32>, transpose_lhs_hint = false} : vector<128x128xf32>, vector<128x128xf32>, vector<128x128xf32> -> vector<128x128xf32>
    %mul3A_200 = arith.constant 5.000000e-01 : f32
    %mul3A_201 = vector.broadcast %mul3A_200 : f32 to vector<128x128xf32>
    %mul3A_202 = arith.mulf %mul3A_201, %dot_general3A_199 : vector<128x128xf32>
    %sub3A_203 = arith.subf %mul3A_197, %mul3A_202 : vector<128x128xf32>
    %dot_general3A_204 = arith.constant dense<0.000000e+00> : vector<128x128xf32>
    %dot_general3A_205 = tpu.matmul %dot_general3A_192, %sub3A_203, %dot_general3A_204 {dimension_numbers = #tpu.dot_dimension_numbers<[1], [0], [0], [1], [0, 0, 1, 1], [], []>, precision = #tpu.contract_precision<fp32>, transpose_lhs_hint = false} : vector<128x128xf32>, vector<128x128xf32>, vector<128x128xf32> -> vector<128x128xf32>
    %dot_general3A_206 = arith.constant dense<0.000000e+00> : vector<128x128xf32>
    %dot_general3A_207 = tpu.matmul %sub3A_203, %dot_general3A_194, %dot_general3A_206 {dimension_numbers = #tpu.dot_dimension_numbers<[1], [0], [0], [1], [0, 0, 1, 1], [], []>, precision = #tpu.contract_precision<fp32>, transpose_lhs_hint = false} : vector<128x128xf32>, vector<128x128xf32>, vector<128x128xf32> -> vector<128x128xf32>
    %mul3A_208 = arith.constant 1.500000e+00 : f32
    %mul3A_209 = vector.broadcast %mul3A_208 : f32 to vector<128x128xf32>
    %mul3A_210 = arith.mulf %mul3A_209, %convert_element_type3A_7 : vector<128x128xf32>
    %dot_general3A_211 = arith.constant dense<0.000000e+00> : vector<128x128xf32>
    %dot_general3A_212 = tpu.matmul %dot_general3A_207, %dot_general3A_205, %dot_general3A_211 {dimension_numbers = #tpu.dot_dimension_numbers<[1], [0], [0], [1], [0, 0, 1, 1], [], []>, precision = #tpu.contract_precision<fp32>, transpose_lhs_hint = false} : vector<128x128xf32>, vector<128x128xf32>, vector<128x128xf32> -> vector<128x128xf32>
    %mul3A_213 = arith.constant 5.000000e-01 : f32
    %mul3A_214 = vector.broadcast %mul3A_213 : f32 to vector<128x128xf32>
    %mul3A_215 = arith.mulf %mul3A_214, %dot_general3A_212 : vector<128x128xf32>
    %sub3A_216 = arith.subf %mul3A_210, %mul3A_215 : vector<128x128xf32>
    %dot_general3A_217 = arith.constant dense<0.000000e+00> : vector<128x128xf32>
    %dot_general3A_218 = tpu.matmul %dot_general3A_205, %sub3A_216, %dot_general3A_217 {dimension_numbers = #tpu.dot_dimension_numbers<[1], [0], [0], [1], [0, 0, 1, 1], [], []>, precision = #tpu.contract_precision<fp32>, transpose_lhs_hint = false} : vector<128x128xf32>, vector<128x128xf32>, vector<128x128xf32> -> vector<128x128xf32>
    %dot_general3A_219 = arith.constant dense<0.000000e+00> : vector<128x128xf32>
    %dot_general3A_220 = tpu.matmul %sub3A_216, %dot_general3A_207, %dot_general3A_219 {dimension_numbers = #tpu.dot_dimension_numbers<[1], [0], [0], [1], [0, 0, 1, 1], [], []>, precision = #tpu.contract_precision<fp32>, transpose_lhs_hint = false} : vector<128x128xf32>, vector<128x128xf32>, vector<128x128xf32> -> vector<128x128xf32>
    %mul3A_221 = arith.constant 1.500000e+00 : f32
    %mul3A_222 = vector.broadcast %mul3A_221 : f32 to vector<128x128xf32>
    %mul3A_223 = arith.mulf %mul3A_222, %convert_element_type3A_7 : vector<128x128xf32>
    %dot_general3A_224 = arith.constant dense<0.000000e+00> : vector<128x128xf32>
    %dot_general3A_225 = tpu.matmul %dot_general3A_220, %dot_general3A_218, %dot_general3A_224 {dimension_numbers = #tpu.dot_dimension_numbers<[1], [0], [0], [1], [0, 0, 1, 1], [], []>, precision = #tpu.contract_precision<fp32>, transpose_lhs_hint = false} : vector<128x128xf32>, vector<128x128xf32>, vector<128x128xf32> -> vector<128x128xf32>
    %mul3A_226 = arith.constant 5.000000e-01 : f32
    %mul3A_227 = vector.broadcast %mul3A_226 : f32 to vector<128x128xf32>
    %mul3A_228 = arith.mulf %mul3A_227, %dot_general3A_225 : vector<128x128xf32>
    %sub3A_229 = arith.subf %mul3A_223, %mul3A_228 : vector<128x128xf32>
    %dot_general3A_230 = arith.constant dense<0.000000e+00> : vector<128x128xf32>
    %dot_general3A_231 = tpu.matmul %dot_general3A_218, %sub3A_229, %dot_general3A_230 {dimension_numbers = #tpu.dot_dimension_numbers<[1], [0], [0], [1], [0, 0, 1, 1], [], []>, precision = #tpu.contract_precision<fp32>, transpose_lhs_hint = false} : vector<128x128xf32>, vector<128x128xf32>, vector<128x128xf32> -> vector<128x128xf32>
    %dot_general3A_232 = arith.constant dense<0.000000e+00> : vector<128x128xf32>
    %dot_general3A_233 = tpu.matmul %sub3A_229, %dot_general3A_220, %dot_general3A_232 {dimension_numbers = #tpu.dot_dimension_numbers<[1], [0], [0], [1], [0, 0, 1, 1], [], []>, precision = #tpu.contract_precision<fp32>, transpose_lhs_hint = false} : vector<128x128xf32>, vector<128x128xf32>, vector<128x128xf32> -> vector<128x128xf32>
    %mul3A_234 = arith.constant 1.500000e+00 : f32
    %mul3A_235 = vector.broadcast %mul3A_234 : f32 to vector<128x128xf32>
    %mul3A_236 = arith.mulf %mul3A_235, %convert_element_type3A_7 : vector<128x128xf32>
    %dot_general3A_237 = arith.constant dense<0.000000e+00> : vector<128x128xf32>
    %dot_general3A_238 = tpu.matmul %dot_general3A_233, %dot_general3A_231, %dot_general3A_237 {dimension_numbers = #tpu.dot_dimension_numbers<[1], [0], [0], [1], [0, 0, 1, 1], [], []>, precision = #tpu.contract_precision<fp32>, transpose_lhs_hint = false} : vector<128x128xf32>, vector<128x128xf32>, vector<128x128xf32> -> vector<128x128xf32>
    %mul3A_239 = arith.constant 5.000000e-01 : f32
    %mul3A_240 = vector.broadcast %mul3A_239 : f32 to vector<128x128xf32>
    %mul3A_241 = arith.mulf %mul3A_240, %dot_general3A_238 : vector<128x128xf32>
    %sub3A_242 = arith.subf %mul3A_236, %mul3A_241 : vector<128x128xf32>
    %dot_general3A_243 = arith.constant dense<0.000000e+00> : vector<128x128xf32>
    %dot_general3A_244 = tpu.matmul %sub3A_242, %dot_general3A_233, %dot_general3A_243 {dimension_numbers = #tpu.dot_dimension_numbers<[1], [0], [0], [1], [0, 0, 1, 1], [], []>, precision = #tpu.contract_precision<fp32>, transpose_lhs_hint = false} : vector<128x128xf32>, vector<128x128xf32>, vector<128x128xf32> -> vector<128x128xf32>
    %rsqrt3A = math.rsqrt %sqrt3A : f32
    %mul3A_245 = vector.broadcast %rsqrt3A : f32 to vector<128x128xf32>
    %mul3A_246 = arith.mulf %dot_general3A_244, %mul3A_245 : vector<128x128xf32>
    %dot_general3A_247 = arith.constant dense<0.000000e+00> : vector<2048x128xf32>
    %dot_general3A_248 = tpu.matmul %add3A_31, %mul3A_246, %dot_general3A_247 {dimension_numbers = #tpu.dot_dimension_numbers<[1], [0], [0], [1], [0, 0, 1, 1], [], []>, precision = #tpu.contract_precision<fp32>, transpose_lhs_hint = false} : vector<2048x128xf32>, vector<128x128xf32>, vector<2048x128xf32> -> vector<2048x128xf32>
    %swap3A = arith.constant 0 : index
    %swap3A_249 = arith.constant 0 : index
    %swap3A_250 = vector.load %arg5[%swap3A, %swap3A_249] : memref<2048x128xf32, #tpu.memory_space<vmem>>, vector<2048x128xf32>
    tpu.vector_store %arg5[%swap3A, %swap3A_249], %dot_general3A_248 {strides = array<i32>} : memref<2048x128xf32, #tpu.memory_space<vmem>>, vector<2048x128xf32>,
    %swap3A_251 = arith.constant 0 : index
    %swap3A_252 = arith.constant 0 : index
    %swap3A_253 = vector.load %arg4[%swap3A_251, %swap3A_252] : memref<2048x128xf32, #tpu.memory_space<vmem>>, vector<2048x128xf32>
    tpu.vector_store %arg4[%swap3A_251, %swap3A_252], %dot_general3A_248 {strides = array<i32>} : memref<2048x128xf32, #tpu.memory_space<vmem>>, vector<2048x128xf32>,
    return
  }
  func.func @transform_0(%arg0: i32) -> (i32, i32) {
    %c0_i32 = arith.constant 0 : i32
    %c0_i32_0 = arith.constant 0 : i32
    %c0_i32_1 = arith.constant 0 : i32
    return %c0_i32, %c0_i32_0 : i32, i32
  }
  func.func @transform_1(%arg0: i32) -> (i32, i32) {
    %c0_i32 = arith.constant 0 : i32
    %c0_i32_0 = arith.constant 0 : i32
    %c0_i32_1 = arith.constant 0 : i32
    return %c0_i32, %c0_i32_0 : i32, i32
  }
  func.func @transform_2(%arg0: i32) -> (i32, i32) {
    %c0_i32 = arith.constant 0 : i32
    %c0_i32_0 = arith.constant 0 : i32
    %c0_i32_1 = arith.constant 0 : i32
    return %c0_i32, %c0_i32_0 : i32, i32
  }
  func.func @transform_3(%arg0: i32) -> (i32, i32) {
    %c0_i32 = arith.constant 0 : i32
    %c0_i32_0 = arith.constant 0 : i32
    %c0_i32_1 = arith.constant 0 : i32
    return %c0_i32, %c0_i32_0 : i32, i32
  }
}

module attributes {stable_mosaic.version = 14 : i64} {
  func.func @_jacobi_body(%arg0: i32, %arg1: memref<128x128xf32, #tpu.memory_space<vmem>>, %arg2: memref<128x128xf32, #tpu.memory_space<vmem>>, %arg3: memref<128x128xf32, #tpu.memory_space<vmem>>, %arg4: memref<128x128xf32, #tpu.memory_space<vmem>>) attributes {dimension_semantics = [#tpu.dimension_semantics<arbitrary>], iteration_bounds = array<i64: 1016>, scalar_prefetch = 0 : i64, scratch_operands = 0 : i64, tpu.core_type = #tpu.core_type<tc>, window_params = [{pipeline_mode = #tpu.pipeline_mode<synchronous>, transform_indices = @transform_0, window_bounds = array<i64: 128, 128>}, {pipeline_mode = #tpu.pipeline_mode<synchronous>, transform_indices = @transform_1, window_bounds = array<i64: 128, 128>}, {pipeline_mode = #tpu.pipeline_mode<synchronous>, transform_indices = @transform_2, window_bounds = array<i64: 128, 128>}, {pipeline_mode = #tpu.pipeline_mode<synchronous>, transform_indices = @transform_3, window_bounds = array<i64: 128, 128>}]} {
    %iota3A = tpu.iota {dimensions = array<i32: 0>} : vector<64x64xi32>
    %iota3A_0 = tpu.iota {dimensions = array<i32: 1>} : vector<64x64xi32>
    %add3A = arith.constant 0 : i32
    %add3A_1 = vector.broadcast %add3A : i32 to vector<64x64xi32>
    %add3A_2 = arith.addi %iota3A, %add3A_1 : vector<64x64xi32>
    %eq3A = arith.cmpi eq, %add3A_2, %iota3A_0 : vector<64x64xi32>
    %convert_element_type3A = arith.extui %eq3A : vector<64x64xi1> to vector<64x64xi32>
    %convert_element_type3A_3 = arith.sitofp %convert_element_type3A : vector<64x64xi32> to vector<64x64xf32>
    %get3A = arith.constant 0 : index
    %get3A_4 = arith.constant 0 : index
    %get3A_5 = vector.load %arg2[%get3A, %get3A_4] : memref<128x128xf32, #tpu.memory_space<vmem>>, vector<128x128xf32>
    %eq3A_6 = arith.constant 0 : i32
    %eq3A_7 = arith.cmpi eq, %arg0, %eq3A_6 : i32
    %convert_element_type3A_8 = arith.extui %eq3A_7 : i1 to i32
    %cond3A = arith.constant 0 : i32
    %cond3A_9 = arith.cmpi ne, %convert_element_type3A_8, %cond3A : i32
    scf.if %cond3A_9 {
      %get3A_154 = arith.constant 0 : index
      %get3A_155 = arith.constant 0 : index
      %get3A_156 = vector.load %arg1[%get3A_154, %get3A_155] : memref<128x128xf32, #tpu.memory_space<vmem>>, vector<128x128xf32>
      %swap3A_157 = arith.constant 0 : index
      %swap3A_158 = arith.constant 0 : index
      %swap3A_159 = vector.load %arg3[%swap3A_157, %swap3A_158] : memref<128x128xf32, #tpu.memory_space<vmem>>, vector<128x128xf32>
      tpu.vector_store %arg3[%swap3A_157, %swap3A_158], %get3A_156 {strides = array<i32>} : memref<128x128xf32, #tpu.memory_space<vmem>>, vector<128x128xf32>,
      %iota3A_160 = tpu.iota {dimensions = array<i32: 0>} : vector<128x128xi32>
      %iota3A_161 = tpu.iota {dimensions = array<i32: 1>} : vector<128x128xi32>
      %add3A_162 = arith.constant 0 : i32
      %add3A_163 = vector.broadcast %add3A_162 : i32 to vector<128x128xi32>
      %add3A_164 = arith.addi %iota3A_160, %add3A_163 : vector<128x128xi32>
      %eq3A_165 = arith.cmpi eq, %add3A_164, %iota3A_161 : vector<128x128xi32>
      %convert_element_type3A_166 = arith.extui %eq3A_165 : vector<128x128xi1> to vector<128x128xi32>
      %convert_element_type3A_167 = arith.sitofp %convert_element_type3A_166 : vector<128x128xi32> to vector<128x128xf32>
      %swap3A_168 = arith.constant 0 : index
      %swap3A_169 = arith.constant 0 : index
      %swap3A_170 = vector.load %arg4[%swap3A_168, %swap3A_169] : memref<128x128xf32, #tpu.memory_space<vmem>>, vector<128x128xf32>
      tpu.vector_store %arg4[%swap3A_168, %swap3A_169], %convert_element_type3A_167 {strides = array<i32>} : memref<128x128xf32, #tpu.memory_space<vmem>>, vector<128x128xf32>,
    } else {
    }
    %get3A_10 = arith.constant 0 : index
    %get3A_11 = arith.constant 0 : index
    %get3A_12 = vector.load %arg3[%get3A_10, %get3A_11] : memref<128x128xf32, #tpu.memory_space<vmem>>, vector<128x128xf32>
    %get3A_13 = arith.constant 0 : index
    %get3A_14 = arith.constant 0 : index
    %get3A_15 = vector.load %arg4[%get3A_13, %get3A_14] : memref<128x128xf32, #tpu.memory_space<vmem>>, vector<128x128xf32>
    %slice3A = vector.extract_strided_slice %get3A_12 {offsets = [0, 0], sizes = [64, 64], strides = [1, 1]} : vector<128x128xf32> to vector<64x64xf32>
    %mul3A = arith.mulf %slice3A, %convert_element_type3A_3 : vector<64x64xf32>
    %reduce_sum3A = arith.constant dense<0.000000e+00> : vector<64xf32>
    %reduce_sum3A_16 = vector.multi_reduction <add>, %mul3A, %reduce_sum3A [0] : vector<64x64xf32> to vector<64xf32>
    %broadcast_in_dim3A = vector.shape_cast %reduce_sum3A_16 : vector<64xf32> to vector<1x64xf32>
    %slice3A_17 = vector.extract_strided_slice %get3A_12 {offsets = [64, 64], sizes = [64, 64], strides = [1, 1]} : vector<128x128xf32> to vector<64x64xf32>
    %mul3A_18 = arith.mulf %slice3A_17, %convert_element_type3A_3 : vector<64x64xf32>
    %reduce_sum3A_19 = arith.constant dense<0.000000e+00> : vector<64xf32>
    %reduce_sum3A_20 = vector.multi_reduction <add>, %mul3A_18, %reduce_sum3A_19 [0] : vector<64x64xf32> to vector<64xf32>
    %broadcast_in_dim3A_21 = vector.shape_cast %reduce_sum3A_20 : vector<64xf32> to vector<1x64xf32>
    %slice3A_22 = vector.extract_strided_slice %get3A_12 {offsets = [0, 64], sizes = [64, 64], strides = [1, 1]} : vector<128x128xf32> to vector<64x64xf32>
    %mul3A_23 = arith.mulf %slice3A_22, %convert_element_type3A_3 : vector<64x64xf32>
    %reduce_sum3A_24 = arith.constant dense<0.000000e+00> : vector<64xf32>
    %reduce_sum3A_25 = vector.multi_reduction <add>, %mul3A_23, %reduce_sum3A_24 [0] : vector<64x64xf32> to vector<64xf32>
    %broadcast_in_dim3A_26 = vector.shape_cast %reduce_sum3A_25 : vector<64xf32> to vector<1x64xf32>
    %sub3A = arith.subf %broadcast_in_dim3A_21, %broadcast_in_dim3A : vector<1x64xf32>
    %mul3A_27 = arith.constant 2.000000e+00 : f32
    %mul3A_28 = vector.broadcast %mul3A_27 : f32 to vector<1x64xf32>
    %mul3A_29 = arith.mulf %mul3A_28, %broadcast_in_dim3A_26 : vector<1x64xf32>
    %add3A_30 = arith.constant 1.000000e-30 : f32
    %add3A_31 = vector.broadcast %add3A_30 : f32 to vector<1x64xf32>
    %add3A_32 = arith.addf %mul3A_29, %add3A_31 : vector<1x64xf32>
    %div3A = arith.divf %sub3A, %add3A_32 : vector<1x64xf32>
    %sign3A = tpu.bitcast %div3A : vector<1x64xf32> -> vector<1x64xi32>
    %sign3A_33 = arith.constant -2147483648 : i32
    %sign3A_34 = vector.broadcast %sign3A_33 : i32 to vector<1x64xi32>
    %sign3A_35 = arith.andi %sign3A, %sign3A_34 : vector<1x64xi32>
    %sign3A_36 = arith.constant 1065353216 : i32
    %sign3A_37 = vector.broadcast %sign3A_36 : i32 to vector<1x64xi32>
    %sign3A_38 = arith.ori %sign3A_37, %sign3A_35 : vector<1x64xi32>
    %sign3A_39 = tpu.bitcast %sign3A_38 : vector<1x64xi32> -> vector<1x64xf32>
    %sign3A_40 = math.absf %div3A : vector<1x64xf32>
    %sign3A_41 = arith.constant 0.000000e+00 : f32
    %sign3A_42 = vector.broadcast %sign3A_41 : f32 to vector<1x64xf32>
    %sign3A_43 = arith.cmpf ogt, %sign3A_40, %sign3A_42 : vector<1x64xf32>
    %sign3A_44 = arith.select %sign3A_43, %sign3A_39, %div3A : vector<1x64xi1>, vector<1x64xf32>
    %abs3A = math.absf %div3A : vector<1x64xf32>
    %mul3A_45 = arith.mulf %div3A, %div3A : vector<1x64xf32>
    %add3A_46 = arith.constant 1.000000e+00 : f32
    %add3A_47 = vector.broadcast %add3A_46 : f32 to vector<1x64xf32>
    %add3A_48 = arith.addf %add3A_47, %mul3A_45 : vector<1x64xf32>
    %sqrt3A = math.sqrt %add3A_48 : vector<1x64xf32>
    %add3A_49 = arith.addf %abs3A, %sqrt3A : vector<1x64xf32>
    %div3A_50 = arith.divf %sign3A_44, %add3A_49 : vector<1x64xf32>
    %mul3A_51 = arith.mulf %div3A_50, %div3A_50 : vector<1x64xf32>
    %add3A_52 = arith.constant 1.000000e+00 : f32
    %add3A_53 = vector.broadcast %add3A_52 : f32 to vector<1x64xf32>
    %add3A_54 = arith.addf %add3A_53, %mul3A_51 : vector<1x64xf32>
    %rsqrt3A = math.rsqrt %add3A_54 : vector<1x64xf32>
    %mul3A_55 = arith.mulf %div3A_50, %rsqrt3A : vector<1x64xf32>
    %slice3A_56 = vector.extract_strided_slice %get3A_12 {offsets = [0, 0], sizes = [64, 64], strides = [1, 1]} : vector<128x128xf32> to vector<64x64xf32>
    %mul3A_57 = arith.mulf %slice3A_56, %convert_element_type3A_3 : vector<64x64xf32>
    %reduce_sum3A_58 = arith.constant dense<0.000000e+00> : vector<64xf32>
    %reduce_sum3A_59 = vector.multi_reduction <add>, %mul3A_57, %reduce_sum3A_58 [1] : vector<64x64xf32> to vector<64xf32>
    %broadcast_in_dim3A_60 = vector.shape_cast %reduce_sum3A_59 : vector<64xf32> to vector<64x1xf32>
    %slice3A_61 = vector.extract_strided_slice %get3A_12 {offsets = [64, 64], sizes = [64, 64], strides = [1, 1]} : vector<128x128xf32> to vector<64x64xf32>
    %mul3A_62 = arith.mulf %slice3A_61, %convert_element_type3A_3 : vector<64x64xf32>
    %reduce_sum3A_63 = arith.constant dense<0.000000e+00> : vector<64xf32>
    %reduce_sum3A_64 = vector.multi_reduction <add>, %mul3A_62, %reduce_sum3A_63 [1] : vector<64x64xf32> to vector<64xf32>
    %broadcast_in_dim3A_65 = vector.shape_cast %reduce_sum3A_64 : vector<64xf32> to vector<64x1xf32>
    %slice3A_66 = vector.extract_strided_slice %get3A_12 {offsets = [0, 64], sizes = [64, 64], strides = [1, 1]} : vector<128x128xf32> to vector<64x64xf32>
    %mul3A_67 = arith.mulf %slice3A_66, %convert_element_type3A_3 : vector<64x64xf32>
    %reduce_sum3A_68 = arith.constant dense<0.000000e+00> : vector<64xf32>
    %reduce_sum3A_69 = vector.multi_reduction <add>, %mul3A_67, %reduce_sum3A_68 [1] : vector<64x64xf32> to vector<64xf32>
    %broadcast_in_dim3A_70 = vector.shape_cast %reduce_sum3A_69 : vector<64xf32> to vector<64x1xf32>
    %sub3A_71 = arith.subf %broadcast_in_dim3A_65, %broadcast_in_dim3A_60 : vector<64x1xf32>
    %mul3A_72 = arith.constant 2.000000e+00 : f32
    %mul3A_73 = vector.broadcast %mul3A_72 : f32 to vector<64x1xf32>
    %mul3A_74 = arith.mulf %mul3A_73, %broadcast_in_dim3A_70 : vector<64x1xf32>
    %add3A_75 = arith.constant 1.000000e-30 : f32
    %add3A_76 = vector.broadcast %add3A_75 : f32 to vector<64x1xf32>
    %add3A_77 = arith.addf %mul3A_74, %add3A_76 : vector<64x1xf32>
    %div3A_78 = arith.divf %sub3A_71, %add3A_77 : vector<64x1xf32>
    %sign3A_79 = tpu.bitcast %div3A_78 : vector<64x1xf32> -> vector<64x1xi32>
    %sign3A_80 = arith.constant -2147483648 : i32
    %sign3A_81 = vector.broadcast %sign3A_80 : i32 to vector<64x1xi32>
    %sign3A_82 = arith.andi %sign3A_79, %sign3A_81 : vector<64x1xi32>
    %sign3A_83 = arith.constant 1065353216 : i32
    %sign3A_84 = vector.broadcast %sign3A_83 : i32 to vector<64x1xi32>
    %sign3A_85 = arith.ori %sign3A_84, %sign3A_82 : vector<64x1xi32>
    %sign3A_86 = tpu.bitcast %sign3A_85 : vector<64x1xi32> -> vector<64x1xf32>
    %sign3A_87 = math.absf %div3A_78 : vector<64x1xf32>
    %sign3A_88 = arith.constant 0.000000e+00 : f32
    %sign3A_89 = vector.broadcast %sign3A_88 : f32 to vector<64x1xf32>
    %sign3A_90 = arith.cmpf ogt, %sign3A_87, %sign3A_89 : vector<64x1xf32>
    %sign3A_91 = arith.select %sign3A_90, %sign3A_86, %div3A_78 : vector<64x1xi1>, vector<64x1xf32>
    %abs3A_92 = math.absf %div3A_78 : vector<64x1xf32>
    %mul3A_93 = arith.mulf %div3A_78, %div3A_78 : vector<64x1xf32>
    %add3A_94 = arith.constant 1.000000e+00 : f32
    %add3A_95 = vector.broadcast %add3A_94 : f32 to vector<64x1xf32>
    %add3A_96 = arith.addf %add3A_95, %mul3A_93 : vector<64x1xf32>
    %sqrt3A_97 = math.sqrt %add3A_96 : vector<64x1xf32>
    %add3A_98 = arith.addf %abs3A_92, %sqrt3A_97 : vector<64x1xf32>
    %div3A_99 = arith.divf %sign3A_91, %add3A_98 : vector<64x1xf32>
    %mul3A_100 = arith.mulf %div3A_99, %div3A_99 : vector<64x1xf32>
    %add3A_101 = arith.constant 1.000000e+00 : f32
    %add3A_102 = vector.broadcast %add3A_101 : f32 to vector<64x1xf32>
    %add3A_103 = arith.addf %add3A_102, %mul3A_100 : vector<64x1xf32>
    %rsqrt3A_104 = math.rsqrt %add3A_103 : vector<64x1xf32>
    %mul3A_105 = arith.mulf %div3A_99, %rsqrt3A_104 : vector<64x1xf32>
    %slice3A_106 = vector.extract_strided_slice %get3A_12 {offsets = [0, 0], sizes = [128, 64], strides = [1, 1]} : vector<128x128xf32> to vector<128x64xf32>
    %slice3A_107 = vector.extract_strided_slice %get3A_12 {offsets = [0, 64], sizes = [128, 64], strides = [1, 1]} : vector<128x128xf32> to vector<128x64xf32>
    %mul3A_108 = vector.broadcast %rsqrt3A : vector<1x64xf32> to vector<128x64xf32>
    %mul3A_109 = arith.mulf %slice3A_106, %mul3A_108 : vector<128x64xf32>
    %mul3A_110 = vector.broadcast %mul3A_55 : vector<1x64xf32> to vector<128x64xf32>
    %mul3A_111 = arith.mulf %slice3A_107, %mul3A_110 : vector<128x64xf32>
    %sub3A_112 = arith.subf %mul3A_109, %mul3A_111 : vector<128x64xf32>
    %mul3A_113 = vector.broadcast %mul3A_55 : vector<1x64xf32> to vector<128x64xf32>
    %mul3A_114 = arith.mulf %slice3A_106, %mul3A_113 : vector<128x64xf32>
    %mul3A_115 = vector.broadcast %rsqrt3A : vector<1x64xf32> to vector<128x64xf32>
    %mul3A_116 = arith.mulf %slice3A_107, %mul3A_115 : vector<128x64xf32>
    %add3A_117 = arith.addf %mul3A_114, %mul3A_116 : vector<128x64xf32>
    %concatenate3A = tpu.concatenate %sub3A_112, %add3A_117 in 1 : vector<128x64xf32>, vector<128x64xf32> -> vector<128x128xf32>
    %slice3A_118 = vector.extract_strided_slice %concatenate3A {offsets = [0, 0], sizes = [64, 128], strides = [1, 1]} : vector<128x128xf32> to vector<64x128xf32>
    %slice3A_119 = vector.extract_strided_slice %concatenate3A {offsets = [64, 0], sizes = [64, 128], strides = [1, 1]} : vector<128x128xf32> to vector<64x128xf32>
    %mul3A_120 = vector.broadcast %rsqrt3A_104 : vector<64x1xf32> to vector<64x128xf32>
    %mul3A_121 = arith.mulf %mul3A_120, %slice3A_118 : vector<64x128xf32>
    %mul3A_122 = vector.broadcast %mul3A_105 : vector<64x1xf32> to vector<64x128xf32>
    %mul3A_123 = arith.mulf %mul3A_122, %slice3A_119 : vector<64x128xf32>
    %sub3A_124 = arith.subf %mul3A_121, %mul3A_123 : vector<64x128xf32>
    %mul3A_125 = vector.broadcast %mul3A_105 : vector<64x1xf32> to vector<64x128xf32>
    %mul3A_126 = arith.mulf %mul3A_125, %slice3A_118 : vector<64x128xf32>
    %mul3A_127 = vector.broadcast %rsqrt3A_104 : vector<64x1xf32> to vector<64x128xf32>
    %mul3A_128 = arith.mulf %mul3A_127, %slice3A_119 : vector<64x128xf32>
    %add3A_129 = arith.addf %mul3A_126, %mul3A_128 : vector<64x128xf32>
    %concatenate3A_130 = tpu.concatenate %sub3A_124, %add3A_129 in 0 : vector<64x128xf32>, vector<64x128xf32> -> vector<128x128xf32>
    %dot_general3A = arith.constant dense<0.000000e+00> : vector<128x128xf32>
    %dot_general3A_131 = tpu.matmul %get3A_5, %concatenate3A_130, %dot_general3A {dimension_numbers = #tpu.dot_dimension_numbers<[1], [0], [0], [1], [0, 0, 1, 1], [], []>, precision = #tpu.contract_precision<fp32>, transpose_lhs_hint = false} : vector<128x128xf32>, vector<128x128xf32>, vector<128x128xf32> -> vector<128x128xf32>
    %dot_general3A_132 = arith.constant dense<0.000000e+00> : vector<128x128xf32>
    %dot_general3A_133 = tpu.matmul %dot_general3A_131, %get3A_5, %dot_general3A_132 {dimension_numbers = #tpu.dot_dimension_numbers<[1], [1], [0], [0], [0, 0, 1, 0], [], []>, precision = #tpu.contract_precision<fp32>, transpose_lhs_hint = false} : vector<128x128xf32>, vector<128x128xf32>, vector<128x128xf32> -> vector<128x128xf32>
    %swap3A = arith.constant 0 : index
    %swap3A_134 = arith.constant 0 : index
    %swap3A_135 = vector.load %arg3[%swap3A, %swap3A_134] : memref<128x128xf32, #tpu.memory_space<vmem>>, vector<128x128xf32>
    tpu.vector_store %arg3[%swap3A, %swap3A_134], %dot_general3A_133 {strides = array<i32>} : memref<128x128xf32, #tpu.memory_space<vmem>>, vector<128x128xf32>,
    %slice3A_136 = vector.extract_strided_slice %get3A_15 {offsets = [0, 0], sizes = [128, 64], strides = [1, 1]} : vector<128x128xf32> to vector<128x64xf32>
    %slice3A_137 = vector.extract_strided_slice %get3A_15 {offsets = [0, 64], sizes = [128, 64], strides = [1, 1]} : vector<128x128xf32> to vector<128x64xf32>
    %mul3A_138 = vector.broadcast %rsqrt3A : vector<1x64xf32> to vector<128x64xf32>
    %mul3A_139 = arith.mulf %slice3A_136, %mul3A_138 : vector<128x64xf32>
    %mul3A_140 = vector.broadcast %mul3A_55 : vector<1x64xf32> to vector<128x64xf32>
    %mul3A_141 = arith.mulf %slice3A_137, %mul3A_140 : vector<128x64xf32>
    %sub3A_142 = arith.subf %mul3A_139, %mul3A_141 : vector<128x64xf32>
    %mul3A_143 = vector.broadcast %mul3A_55 : vector<1x64xf32> to vector<128x64xf32>
    %mul3A_144 = arith.mulf %slice3A_136, %mul3A_143 : vector<128x64xf32>
    %mul3A_145 = vector.broadcast %rsqrt3A : vector<1x64xf32> to vector<128x64xf32>
    %mul3A_146 = arith.mulf %slice3A_137, %mul3A_145 : vector<128x64xf32>
    %add3A_147 = arith.addf %mul3A_144, %mul3A_146 : vector<128x64xf32>
    %concatenate3A_148 = tpu.concatenate %sub3A_142, %add3A_147 in 1 : vector<128x64xf32>, vector<128x64xf32> -> vector<128x128xf32>
    %dot_general3A_149 = arith.constant dense<0.000000e+00> : vector<128x128xf32>
    %dot_general3A_150 = tpu.matmul %concatenate3A_148, %get3A_5, %dot_general3A_149 {dimension_numbers = #tpu.dot_dimension_numbers<[1], [1], [0], [0], [0, 0, 1, 0], [], []>, precision = #tpu.contract_precision<fp32>, transpose_lhs_hint = false} : vector<128x128xf32>, vector<128x128xf32>, vector<128x128xf32> -> vector<128x128xf32>
    %swap3A_151 = arith.constant 0 : index
    %swap3A_152 = arith.constant 0 : index
    %swap3A_153 = vector.load %arg4[%swap3A_151, %swap3A_152] : memref<128x128xf32, #tpu.memory_space<vmem>>, vector<128x128xf32>
    tpu.vector_store %arg4[%swap3A_151, %swap3A_152], %dot_general3A_150 {strides = array<i32>} : memref<128x128xf32, #tpu.memory_space<vmem>>, vector<128x128xf32>,
    return
  }
  func.func @transform_0(%arg0: i32) -> (i32, i32) {
    %c0_i32 = arith.constant 0 : i32
    %c0_i32_0 = arith.constant 0 : i32
    %c0_i32_1 = arith.constant 0 : i32
    return %c0_i32, %c0_i32_0 : i32, i32
  }
  func.func @transform_1(%arg0: i32) -> (i32, i32) {
    %c0_i32 = arith.constant 0 : i32
    %c0_i32_0 = arith.constant 0 : i32
    %c0_i32_1 = arith.constant 0 : i32
    return %c0_i32, %c0_i32_0 : i32, i32
  }
  func.func @transform_2(%arg0: i32) -> (i32, i32) {
    %c0_i32 = arith.constant 0 : i32
    %c0_i32_0 = arith.constant 0 : i32
    %c0_i32_1 = arith.constant 0 : i32
    return %c0_i32, %c0_i32_0 : i32, i32
  }
  func.func @transform_3(%arg0: i32) -> (i32, i32) {
    %c0_i32 = arith.constant 0 : i32
    %c0_i32_0 = arith.constant 0 : i32
    %c0_i32_1 = arith.constant 0 : i32
    return %c0_i32, %c0_i32_0 : i32, i32
  }
}

module attributes {stable_mosaic.version = 14 : i64} {
  func.func @_ritz_h_body(%arg0: memref<2048x2048xbf16, #tpu.memory_space<vmem>>, %arg1: memref<2048x2048xbf16, #tpu.memory_space<vmem>>, %arg2: memref<2048x128xf32, #tpu.memory_space<vmem>>, %arg3: memref<128x128xf32, #tpu.memory_space<vmem>>) attributes {dimension_semantics = [], scalar_prefetch = 0 : i64, scratch_operands = 0 : i64, tpu.core_type = #tpu.core_type<tc>} {
    %get3A = arith.constant 0 : index
    %get3A_0 = arith.constant 0 : index
    %get3A_1 = vector.load %arg2[%get3A, %get3A_0] : memref<2048x128xf32, #tpu.memory_space<vmem>>, vector<2048x128xf32>
    %convert_element_type3A = arith.truncf %get3A_1 : vector<2048x128xf32> to vector<2048x128xbf16>
    %convert_element_type3A_2 = arith.extf %convert_element_type3A : vector<2048x128xbf16> to vector<2048x128xf32>
    %sub3A = arith.subf %get3A_1, %convert_element_type3A_2 : vector<2048x128xf32>
    %convert_element_type3A_3 = arith.truncf %sub3A : vector<2048x128xf32> to vector<2048x128xbf16>
    %convert_element_type3A_4 = arith.extf %convert_element_type3A_3 : vector<2048x128xbf16> to vector<2048x128xf32>
    %sub3A_5 = arith.subf %sub3A, %convert_element_type3A_4 : vector<2048x128xf32>
    %convert_element_type3A_6 = arith.truncf %sub3A_5 : vector<2048x128xf32> to vector<2048x128xbf16>
    %get3A_7 = arith.constant 0 : index
    %get3A_8 = arith.constant 0 : index
    %get3A_9 = vector.load %arg0[%get3A_7, %get3A_8] : memref<2048x2048xbf16, #tpu.memory_space<vmem>>, vector<2048x2048xbf16>
    %dot_general3A = arith.constant dense<0.000000e+00> : vector<2048x128xf32>
    %dot_general3A_10 = tpu.matmul %get3A_9, %convert_element_type3A, %dot_general3A {dimension_numbers = #tpu.dot_dimension_numbers<[1], [0], [0], [1], [0, 0, 1, 1], [], []>, transpose_lhs_hint = false} : vector<2048x2048xbf16>, vector<2048x128xbf16>, vector<2048x128xf32> -> vector<2048x128xf32>
    %get3A_11 = arith.constant 0 : index
    %get3A_12 = arith.constant 0 : index
    %get3A_13 = vector.load %arg1[%get3A_11, %get3A_12] : memref<2048x2048xbf16, #tpu.memory_space<vmem>>, vector<2048x2048xbf16>
    %dot_general3A_14 = arith.constant dense<0.000000e+00> : vector<2048x128xf32>
    %dot_general3A_15 = tpu.matmul %get3A_13, %convert_element_type3A, %dot_general3A_14 {dimension_numbers = #tpu.dot_dimension_numbers<[1], [0], [0], [1], [0, 0, 1, 1], [], []>, transpose_lhs_hint = false} : vector<2048x2048xbf16>, vector<2048x128xbf16>, vector<2048x128xf32> -> vector<2048x128xf32>
    %add3A = arith.addf %dot_general3A_10, %dot_general3A_15 : vector<2048x128xf32>
    %dot_general3A_16 = arith.constant dense<0.000000e+00> : vector<2048x128xf32>
    %dot_general3A_17 = tpu.matmul %get3A_9, %convert_element_type3A_3, %dot_general3A_16 {dimension_numbers = #tpu.dot_dimension_numbers<[1], [0], [0], [1], [0, 0, 1, 1], [], []>, transpose_lhs_hint = false} : vector<2048x2048xbf16>, vector<2048x128xbf16>, vector<2048x128xf32> -> vector<2048x128xf32>
    %dot_general3A_18 = arith.constant dense<0.000000e+00> : vector<2048x128xf32>
    %dot_general3A_19 = tpu.matmul %get3A_9, %convert_element_type3A_6, %dot_general3A_18 {dimension_numbers = #tpu.dot_dimension_numbers<[1], [0], [0], [1], [0, 0, 1, 1], [], []>, transpose_lhs_hint = false} : vector<2048x2048xbf16>, vector<2048x128xbf16>, vector<2048x128xf32> -> vector<2048x128xf32>
    %add3A_20 = arith.addf %dot_general3A_17, %dot_general3A_19 : vector<2048x128xf32>
    %add3A_21 = arith.addf %add3A, %add3A_20 : vector<2048x128xf32>
    %transpose3A = tpu.transpose %get3A_1, [1, 0] : vector<2048x128xf32> -> vector<128x2048xf32>
    %dot_general3A_22 = arith.constant dense<0.000000e+00> : vector<128x128xf32>
    %dot_general3A_23 = tpu.matmul %transpose3A, %add3A_21, %dot_general3A_22 {dimension_numbers = #tpu.dot_dimension_numbers<[1], [0], [0], [1], [0, 0, 1, 1], [], []>, precision = #tpu.contract_precision<fp32>, transpose_lhs_hint = false} : vector<128x2048xf32>, vector<2048x128xf32>, vector<128x128xf32> -> vector<128x128xf32>
    %swap3A = arith.constant 0 : index
    %swap3A_24 = arith.constant 0 : index
    %swap3A_25 = vector.load %arg3[%swap3A, %swap3A_24] : memref<128x128xf32, #tpu.memory_space<vmem>>, vector<128x128xf32>
    tpu.vector_store %arg3[%swap3A, %swap3A_24], %dot_general3A_23 {strides = array<i32>} : memref<128x128xf32, #tpu.memory_space<vmem>>, vector<128x128xf32>,
    return
  }
}

module attributes {stable_mosaic.version = 14 : i64} {
  func.func @_pipeline_body(%arg0: memref<2048x2048xbf16, #tpu.memory_space<vmem>>, %arg1: memref<2048x128xf32, #tpu.memory_space<vmem>>, %arg2: memref<128x128xf32, #tpu.memory_space<vmem>>, %arg3: memref<128x128xf32, #tpu.memory_space<vmem>>, %arg4: memref<2048x128xf32, #tpu.memory_space<vmem>>, %arg5: memref<128x128xf32, #tpu.memory_space<vmem>>, %arg6: memref<1x128xf32, #tpu.memory_space<vmem>>, %arg7: memref<128x64xf32, #tpu.memory_space<vmem>>, %arg8: memref<1x64xf32, #tpu.memory_space<vmem>>, %arg9: memref<2048x64xf32, #tpu.memory_space<vmem>>) attributes {dimension_semantics = [], scalar_prefetch = 0 : i64, scratch_operands = 0 : i64, tpu.core_type = #tpu.core_type<tc>} {
    %iota3A = tpu.iota {dimensions = array<i32: 0>} : vector<128x128xi32>
    %iota3A_0 = tpu.iota {dimensions = array<i32: 1>} : vector<128x128xi32>
    %add3A = arith.constant 0 : i32
    %add3A_1 = vector.broadcast %add3A : i32 to vector<128x128xi32>
    %add3A_2 = arith.addi %iota3A, %add3A_1 : vector<128x128xi32>
    %eq3A = arith.cmpi eq, %add3A_2, %iota3A_0 : vector<128x128xi32>
    %convert_element_type3A = arith.extui %eq3A : vector<128x128xi1> to vector<128x128xi32>
    %convert_element_type3A_3 = arith.sitofp %convert_element_type3A : vector<128x128xi32> to vector<128x128xf32>
    %get3A = arith.constant 0 : index
    %get3A_4 = arith.constant 0 : index
    %get3A_5 = vector.load %arg2[%get3A, %get3A_4] : memref<128x128xf32, #tpu.memory_space<vmem>>, vector<128x128xf32>
    %mul3A = arith.mulf %get3A_5, %convert_element_type3A_3 : vector<128x128xf32>
    %reduce_sum3A = arith.constant dense<0.000000e+00> : vector<128xf32>
    %reduce_sum3A_6 = vector.multi_reduction <add>, %mul3A, %reduce_sum3A [0] : vector<128x128xf32> to vector<128xf32>
    %broadcast_in_dim3A = vector.shape_cast %reduce_sum3A_6 : vector<128xf32> to vector<1x128xf32>
    %mul3A_7 = arith.mulf %get3A_5, %convert_element_type3A_3 : vector<128x128xf32>
    %reduce_sum3A_8 = arith.constant dense<0.000000e+00> : vector<128xf32>
    %reduce_sum3A_9 = vector.multi_reduction <add>, %mul3A_7, %reduce_sum3A_8 [1] : vector<128x128xf32> to vector<128xf32>
    %broadcast_in_dim3A_10 = vector.shape_cast %reduce_sum3A_9 : vector<128xf32> to vector<128x1xf32>
    %iota3A_11 = tpu.iota {dimensions = array<i32: 0>} : vector<128x128xi32>
    %iota3A_12 = tpu.iota {dimensions = array<i32: 1>} : vector<128x128xi32>
    %gt3A = vector.broadcast %broadcast_in_dim3A_10 : vector<128x1xf32> to vector<128x128xf32>
    %gt3A_13 = vector.broadcast %broadcast_in_dim3A : vector<1x128xf32> to vector<128x128xf32>
    %gt3A_14 = arith.cmpf ogt, %gt3A, %gt3A_13 : vector<128x128xf32>
    %eq3A_15 = vector.broadcast %broadcast_in_dim3A_10 : vector<128x1xf32> to vector<128x128xf32>
    %eq3A_16 = vector.broadcast %broadcast_in_dim3A : vector<1x128xf32> to vector<128x128xf32>
    %eq3A_17 = arith.cmpf oeq, %eq3A_15, %eq3A_16 : vector<128x128xf32>
    %lt3A = arith.cmpi slt, %iota3A_11, %iota3A_12 : vector<128x128xi32>
    %and3A = arith.andi %eq3A_17, %lt3A : vector<128x128xi1>
    %or3A = arith.ori %gt3A_14, %and3A : vector<128x128xi1>
    %convert_element_type3A_18 = arith.extui %or3A : vector<128x128xi1> to vector<128x128xi32>
    %convert_element_type3A_19 = arith.sitofp %convert_element_type3A_18 : vector<128x128xi32> to vector<128x128xf32>
    %reduce_sum3A_20 = arith.constant dense<0.000000e+00> : vector<128xf32>
    %reduce_sum3A_21 = vector.multi_reduction <add>, %convert_element_type3A_19, %reduce_sum3A_20 [0] : vector<128x128xf32> to vector<128xf32>
    %broadcast_in_dim3A_22 = vector.shape_cast %reduce_sum3A_21 : vector<128xf32> to vector<1x128xf32>
    %lt3A_23 = arith.constant 5.000000e+01 : f32
    %lt3A_24 = vector.broadcast %lt3A_23 : f32 to vector<1x128xf32>
    %lt3A_25 = arith.cmpf olt, %broadcast_in_dim3A_22, %lt3A_24 : vector<1x128xf32>
    %convert_element_type3A_26 = arith.extui %lt3A_25 : vector<1x128xi1> to vector<1x128xi32>
    %convert_element_type3A_27 = arith.sitofp %convert_element_type3A_26 : vector<1x128xi32> to vector<1x128xf32>
    %get3A_28 = arith.constant 0 : index
    %get3A_29 = arith.constant 0 : index
    %get3A_30 = vector.load %arg1[%get3A_28, %get3A_29] : memref<2048x128xf32, #tpu.memory_space<vmem>>, vector<2048x128xf32>
    %get3A_31 = arith.constant 0 : index
    %get3A_32 = arith.constant 0 : index
    %get3A_33 = vector.load %arg3[%get3A_31, %get3A_32] : memref<128x128xf32, #tpu.memory_space<vmem>>, vector<128x128xf32>
    %mul3A_34 = vector.broadcast %convert_element_type3A_27 : vector<1x128xf32> to vector<128x128xf32>
    %mul3A_35 = arith.mulf %get3A_33, %mul3A_34 : vector<128x128xf32>
    %dot_general3A = arith.constant dense<0.000000e+00> : vector<2048x128xf32>
    %dot_general3A_36 = tpu.matmul %get3A_30, %mul3A_35, %dot_general3A {dimension_numbers = #tpu.dot_dimension_numbers<[1], [0], [0], [1], [0, 0, 1, 1], [], []>, precision = #tpu.contract_precision<fp32>, transpose_lhs_hint = false} : vector<2048x128xf32>, vector<128x128xf32>, vector<2048x128xf32> -> vector<2048x128xf32>
    %transpose3A = tpu.transpose %dot_general3A_36, [1, 0] : vector<2048x128xf32> -> vector<128x2048xf32>
    %get3A_37 = arith.constant 0 : index
    %get3A_38 = arith.constant 0 : index
    %get3A_39 = vector.load %arg0[%get3A_37, %get3A_38] : memref<2048x2048xbf16, #tpu.memory_space<vmem>>, vector<2048x2048xbf16>
    %get3A_40 = arith.constant 0 : index
    %get3A_41 = arith.constant 0 : index
    %get3A_42 = vector.load %arg4[%get3A_40, %get3A_41] : memref<2048x128xf32, #tpu.memory_space<vmem>>, vector<2048x128xf32>
    %get3A_43 = arith.constant 0 : index
    %get3A_44 = arith.constant 0 : index
    %get3A_45 = vector.load %arg5[%get3A_43, %get3A_44] : memref<128x128xf32, #tpu.memory_space<vmem>>, vector<128x128xf32>
    %dot_general3A_46 = arith.constant dense<0.000000e+00> : vector<2048x128xf32>
    %dot_general3A_47 = tpu.matmul %get3A_42, %get3A_45, %dot_general3A_46 {dimension_numbers = #tpu.dot_dimension_numbers<[1], [0], [0], [1], [0, 0, 1, 1], [], []>, precision = #tpu.contract_precision<fp32>, transpose_lhs_hint = false} : vector<2048x128xf32>, vector<128x128xf32>, vector<2048x128xf32> -> vector<2048x128xf32>
    %get3A_48 = arith.constant 0 : index
    %get3A_49 = arith.constant 0 : index
    %get3A_50 = vector.load %arg6[%get3A_48, %get3A_49] : memref<1x128xf32, #tpu.memory_space<vmem>>, vector<1x128xf32>
    %add3A_51 = vector.broadcast %get3A_50 : vector<1x128xf32> to vector<2048x128xf32>
    %add3A_52 = arith.addf %dot_general3A_47, %add3A_51 : vector<2048x128xf32>
    %convert_element_type3A_53 = arith.truncf %add3A_52 : vector<2048x128xf32> to vector<2048x128xbf16>
    %convert_element_type3A_54 = arith.extf %convert_element_type3A_53 : vector<2048x128xbf16> to vector<2048x128xf32>
    %sub3A = arith.subf %add3A_52, %convert_element_type3A_54 : vector<2048x128xf32>
    %convert_element_type3A_55 = arith.truncf %sub3A : vector<2048x128xf32> to vector<2048x128xbf16>
    %dot_general3A_56 = arith.constant dense<0.000000e+00> : vector<2048x128xf32>
    %dot_general3A_57 = tpu.matmul %get3A_39, %convert_element_type3A_53, %dot_general3A_56 {dimension_numbers = #tpu.dot_dimension_numbers<[1], [0], [0], [1], [0, 0, 1, 1], [], []>, transpose_lhs_hint = false} : vector<2048x2048xbf16>, vector<2048x128xbf16>, vector<2048x128xf32> -> vector<2048x128xf32>
    %dot_general3A_58 = arith.constant dense<0.000000e+00> : vector<2048x128xf32>
    %dot_general3A_59 = tpu.matmul %get3A_39, %convert_element_type3A_55, %dot_general3A_58 {dimension_numbers = #tpu.dot_dimension_numbers<[1], [0], [0], [1], [0, 0, 1, 1], [], []>, transpose_lhs_hint = false} : vector<2048x2048xbf16>, vector<2048x128xbf16>, vector<2048x128xf32> -> vector<2048x128xf32>
    %add3A_60 = arith.addf %dot_general3A_57, %dot_general3A_59 : vector<2048x128xf32>
    %dot_general3A_61 = arith.constant dense<0.000000e+00> : vector<128x128xf32>
    %dot_general3A_62 = tpu.matmul %transpose3A, %add3A_60, %dot_general3A_61 {dimension_numbers = #tpu.dot_dimension_numbers<[1], [0], [0], [1], [0, 0, 1, 1], [], []>, precision = #tpu.contract_precision<fp32>, transpose_lhs_hint = false} : vector<128x2048xf32>, vector<2048x128xf32>, vector<128x128xf32> -> vector<128x128xf32>
    %dot_general3A_63 = arith.constant dense<0.000000e+00> : vector<2048x128xf32>
    %dot_general3A_64 = tpu.matmul %dot_general3A_36, %dot_general3A_62, %dot_general3A_63 {dimension_numbers = #tpu.dot_dimension_numbers<[1], [0], [0], [1], [0, 0, 1, 1], [], []>, precision = #tpu.contract_precision<fp32>, transpose_lhs_hint = false} : vector<2048x128xf32>, vector<128x128xf32>, vector<2048x128xf32> -> vector<2048x128xf32>
    %max3A = arith.constant 0.000000e+00 : f32
    %max3A_65 = vector.broadcast %max3A : f32 to vector<2048x128xf32>
    %max3A_66 = arith.maximumf %dot_general3A_64, %max3A_65 : vector<2048x128xf32>
    %get3A_67 = arith.constant 0 : index
    %get3A_68 = arith.constant 0 : index
    %get3A_69 = vector.load %arg7[%get3A_67, %get3A_68] : memref<128x64xf32, #tpu.memory_space<vmem>>, vector<128x64xf32>
    %dot_general3A_70 = arith.constant dense<0.000000e+00> : vector<2048x64xf32>
    %dot_general3A_71 = tpu.matmul %max3A_66, %get3A_69, %dot_general3A_70 {dimension_numbers = #tpu.dot_dimension_numbers<[1], [0], [0], [1], [0, 0, 1, 1], [], []>, precision = #tpu.contract_precision<fp32>, transpose_lhs_hint = false} : vector<2048x128xf32>, vector<128x64xf32>, vector<2048x64xf32> -> vector<2048x64xf32>
    %get3A_72 = arith.constant 0 : index
    %get3A_73 = arith.constant 0 : index
    %get3A_74 = vector.load %arg8[%get3A_72, %get3A_73] : memref<1x64xf32, #tpu.memory_space<vmem>>, vector<1x64xf32>
    %add3A_75 = vector.broadcast %get3A_74 : vector<1x64xf32> to vector<2048x64xf32>
    %add3A_76 = arith.addf %dot_general3A_71, %add3A_75 : vector<2048x64xf32>
    %convert_element_type3A_77 = arith.truncf %add3A_76 : vector<2048x64xf32> to vector<2048x64xbf16>
    %convert_element_type3A_78 = arith.extf %convert_element_type3A_77 : vector<2048x64xbf16> to vector<2048x64xf32>
    %sub3A_79 = arith.subf %add3A_76, %convert_element_type3A_78 : vector<2048x64xf32>
    %convert_element_type3A_80 = arith.truncf %sub3A_79 : vector<2048x64xf32> to vector<2048x64xbf16>
    %dot_general3A_81 = arith.constant dense<0.000000e+00> : vector<2048x64xf32>
    %dot_general3A_82 = tpu.matmul %get3A_39, %convert_element_type3A_77, %dot_general3A_81 {dimension_numbers = #tpu.dot_dimension_numbers<[1], [0], [0], [1], [0, 0, 1, 1], [], []>, transpose_lhs_hint = false} : vector<2048x2048xbf16>, vector<2048x64xbf16>, vector<2048x64xf32> -> vector<2048x64xf32>
    %dot_general3A_83 = arith.constant dense<0.000000e+00> : vector<2048x64xf32>
    %dot_general3A_84 = tpu.matmul %get3A_39, %convert_element_type3A_80, %dot_general3A_83 {dimension_numbers = #tpu.dot_dimension_numbers<[1], [0], [0], [1], [0, 0, 1, 1], [], []>, transpose_lhs_hint = false} : vector<2048x2048xbf16>, vector<2048x64xbf16>, vector<2048x64xf32> -> vector<2048x64xf32>
    %add3A_85 = arith.addf %dot_general3A_82, %dot_general3A_84 : vector<2048x64xf32>
    %dot_general3A_86 = arith.constant dense<0.000000e+00> : vector<128x64xf32>
    %dot_general3A_87 = tpu.matmul %transpose3A, %add3A_85, %dot_general3A_86 {dimension_numbers = #tpu.dot_dimension_numbers<[1], [0], [0], [1], [0, 0, 1, 1], [], []>, precision = #tpu.contract_precision<fp32>, transpose_lhs_hint = false} : vector<128x2048xf32>, vector<2048x64xf32>, vector<128x64xf32> -> vector<128x64xf32>
    %dot_general3A_88 = arith.constant dense<0.000000e+00> : vector<2048x64xf32>
    %dot_general3A_89 = tpu.matmul %dot_general3A_36, %dot_general3A_87, %dot_general3A_88 {dimension_numbers = #tpu.dot_dimension_numbers<[1], [0], [0], [1], [0, 0, 1, 1], [], []>, precision = #tpu.contract_precision<fp32>, transpose_lhs_hint = false} : vector<2048x128xf32>, vector<128x64xf32>, vector<2048x64xf32> -> vector<2048x64xf32>
    %swap3A = arith.constant 0 : index
    %swap3A_90 = arith.constant 0 : index
    %swap3A_91 = vector.load %arg9[%swap3A, %swap3A_90] : memref<2048x64xf32, #tpu.memory_space<vmem>>, vector<2048x64xf32>
    tpu.vector_store %arg9[%swap3A, %swap3A_90], %dot_general3A_89 {strides = array<i32>} : memref<2048x64xf32, #tpu.memory_space<vmem>>, vector<2048x64xf32>,
    return
  }
}

</mosaic_0001>

<sc_bundles>
// kernel: kernel.8.cloned.1.call-start
scs
__scs_entry_jumppad:
0x0: {  	(pc) =	sbr.rel $0x88, $3  }
0x1: {  	(tag) =	ssettag $0x0;
	lr =	simm.s32 $0x1  }
0x2: {  	[smem:$0x3F9B] =	sst lr;
	_ =	strace $0xD0000000  }
0x3: {  	_ = 	snop  }
0x4: {  	_ = 	snop  }
0x5: {  	_ = 	snop  }
0x6: {  	_ = 	snop  }
0x7: {  	_ = 	snop  }
__scs_overlays_trampoline_lowered:
0x8: {  	[smem:$0x3FAA] =	sst s0  }
0x9: {  	[smem:$0x3FAB] =	sst s1  }
0xa: {  	[smem:$0x3FAC] =	sst s2  }
0xb: {  	[smem:$0x3FAD] =	sst s3  }
0xc: {  	[smem:$0x3FAE] =	sst s4  }
0xd: {  	[smem:$0x3FAF] =	sst s5  }
0xe: {  	[smem:$0x3FB0] =	sst s6  }
0xf: {  	[smem:$0x3FB1] =	sst s7  }
0x10: {  	[smem:$0x3FB2] =	sst s8  }
0x11: {  	[smem:$0x3FB3] =	sst s9;
	s0 =	simm.s32 @!p0 $0x0  }
0x12: {  	s1 =	sld [smem:$0x3F99];
	s0 =	simm.s32 @p0 $0x1  }
0x13: {  	[smem:$0x3FB4] =	sst s0;
	s0 =	simm.s32 @!p1 $0x0  }
0x14: {  	s2 =	sld [smem:$0x3F98];
	s0 =	simm.s32 @p1 $0x1  }
0x15: {  	[smem:$0x3FB5] =	sst s0;
	s0 =	simm.s32 @!p2 $0x0  }
0x16: {  	s3 =	sld [smem:$0x3FDB];
	s0 =	simm.s32 @p2 $0x1  }
0x17: {  	s4 =	simm.s32 $0x1BF5;
	[smem:$0x3FB7] =	sst s0  }
0x18: {  	s0 =	sld [smem:$0x3F9A];
	_ =	swait.ge [sflag:s4], $0x0  }
0x19: {  	s7 =	sld [smem:$0x3F9B]  }
0x1a: {  	s8 =	sadd.s32 $0xFFFFE003, lr  }
0x1b: {  	s9 =	sadd.s32 $0xFFFFFEF7, lr;
	s5 =	simm.s32 $0xFFFFFFFF;
	p2 =	slt.u32 s8, $0xFFFFF086  }
0x1c: {  	p1 =	slt.u32 s9, $0xF7A;
	s5 =	simm.s32 @!p2 $0x0  }
0x1d: {  	s5 =	simm.s32 @p1 $0x1;
	p0 =	seq.s32 s7, s2  }
0x1e: {  	s7 =	smul.u32 @!p0 $0xF7A, s2;
	p2 =	seq.s32 @!p0 s5, $0x0  }
0x1f: {  	s9 =	smul.u32 $0xF7A, s1;
	s8 =	simm.s32 @!p0 $0x1BF5;
	p2 =	por !p2, p0  }
0x20: {  	[sflag:s8] =	ssyncset.s32 @!p0 $0xFFFFF086;
	s6 =	sadd.s32 @!p0 s3, s7;
	s7 =	simm.s32 @!p0 $0x108  }
0x21: {  	s3 =	sadd.s32 s3, s9;
	s6 =	sadd.s32 @!p0 $0x88, s6;
	s7 =	simm.s32 @p2 $0x1082  }
0x22: {  	[simem:s7], [sflag:s8] =	dma.local @!p0 [hbm:s6], $0xF7A  }
0x23: {  	s9 =	sor.u32 $0xD0000000, s2;
	s6 =	simm.s32 $0x108;
	_ =	swait.ge @!p0 [sflag:s8], $0x0  }
0x24: {  	s3 =	sadd.s32 $0x88, s3;
	s6 =	simm.s32 @!p1 $0x1082;
	[sflag:s4] =	ssyncset.s32 $0xFFFFF086  }
0x25: {  	[simem:s6], [sflag:s4] =	dma.local [hbm:s3], $0xF7A  }
0x26: {  	[smem:$0x3F9B] =	sst s1;
	(tag) =	ssettag s2;
	_ =	strace s9  }
0x27: {  	s1 =	sld [smem:$0x3FAB]  }
0x28: {  	s2 =	sld [smem:$0x3FAC]  }
0x29: {  	s4 =	sld [smem:$0x3FAE]  }
0x2a: {  	p0 =	seq.s32 s5, $0x0;
	s5 =	sld [smem:$0x3FAF]  }
0x2b: {  	s6 =	sld [smem:$0x3FB0]  }
0x2c: {  	s7 =	sld [smem:$0x3FB1]  }
0x2d: {  	s3 =	simm.s32 $0x108;
	s8 =	sld [smem:$0x3FB2]  }
0x2e: {  	s3 =	simm.s32 @!p0 $0x1082;
	s9 =	sld [smem:$0x3FB3]  }
0x2f: {  	lr =	sadd.s32 s0, s3;
	s0 =	sld [smem:$0x3FAA]  }
0x30: {  	s3 =	sld [smem:$0x3FAD]  }
0x31: {  	[smem:$0x3FB6] =	sst s10  }
0x32: {  	s10 =	sld [smem:$0x3FB4];
	_ =	sdelay $0x3  }
0x33: {  	p0 =	seq.s32 s10, $0x1;
	s10 =	sld [smem:$0x3FB6];
	_ =	sdelay $0x3  }
0x34: {  	[smem:$0x3FB6] =	sst s10  }
0x35: {  	s10 =	sld [smem:$0x3FB5];
	_ =	sdelay $0x3  }
0x36: {  	p1 =	seq.s32 s10, $0x1;
	s10 =	sld [smem:$0x3FB6];
	_ =	sdelay $0x3  }
0x37: {  	[smem:$0x3FB6] =	sst s10  }
0x38: {  	s10 =	sld [smem:$0x3FB7]  }
0x39: {  	_ = 	snop;
	(pc) =	sbr.ind lr, $3  }
0x3a: {  	_ = 	snop  }
0x3b: {  	_ = 	snop  }
0x3c: {  	p2 =	seq.s32 s10, $0x1;
	s10 =	sld [smem:$0x3FB6]  }
0x3d: {  	_ =	shalt  }
0x3e: {  	_ =	shalt  }
0x3f: {  	_ =	shalt  }
0x40: {  	_ =	shalt  }
0x41: {  	_ =	shalt  }
0x42: {  	_ =	shalt  }
0x43: {  	_ =	shalt  }
0x44: {  	_ =	shalt  }
0x45: {  	_ =	shalt  }
0x46: {  	_ =	shalt  }
0x47: {  	_ =	shalt  }
0x48: {  	_ =	shalt  }
0x49: {  	_ =	shalt  }
0x4a: {  	_ =	shalt  }
0x4b: {  	_ =	shalt  }
0x4c: {  	_ =	shalt  }
0x4d: {  	_ =	shalt  }
0x4e: {  	_ =	shalt  }
0x4f: {  	_ =	shalt  }
0x50: {  	_ =	shalt  }
0x51: {  	_ =	shalt  }
0x52: {  	_ =	shalt  }
0x53: {  	_ =	shalt  }
0x54: {  	_ =	shalt  }
0x55: {  	_ =	shalt  }
0x56: {  	_ =	shalt  }
0x57: {  	_ =	shalt  }
0x58: {  	_ =	shalt  }
0x59: {  	_ =	shalt  }
0x5a: {  	_ =	shalt  }
0x5b: {  	_ =	shalt  }
0x5c: {  	_ =	shalt  }
0x5d: {  	_ =	shalt  }
0x5e: {  	_ =	shalt  }
0x5f: {  	_ =	shalt  }
0x60: {  	_ =	shalt  }
0x61: {  	_ =	shalt  }
0x62: {  	_ =	shalt  }
0x63: {  	_ =	shalt  }
0x64: {  	_ =	shalt  }
0x65: {  	_ =	shalt  }
0x66: {  	_ =	shalt  }
0x67: {  	_ =	shalt  }
0x68: {  	_ =	shalt  }
0x69: {  	_ =	shalt  }
0x6a: {  	_ =	shalt  }
0x6b: {  	_ =	shalt  }
0x6c: {  	_ =	shalt  }
0x6d: {  	_ =	shalt  }
0x6e: {  	_ =	shalt  }
0x6f: {  	_ =	shalt  }
0x70: {  	_ =	shalt  }
0x71: {  	_ =	shalt  }
0x72: {  	_ =	shalt  }
0x73: {  	_ =	shalt  }
0x74: {  	_ =	shalt  }
0x75: {  	_ =	shalt  }
0x76: {  	_ =	shalt  }
0x77: {  	_ =	shalt  }
0x78: {  	_ =	shalt  }
0x79: {  	_ =	shalt  }
0x7a: {  	_ =	shalt  }
0x7b: {  	_ =	shalt  }
0x7c: {  	_ =	shalt  }
0x7d: {  	_ =	shalt  }
0x7e: {  	_ =	shalt  }
0x7f: {  	_ =	shalt  }
0x80: {  	_ =	shalt  }
0x81: {  	_ =	shalt  }
0x82: {  	_ =	shalt  }
0x83: {  	_ =	shalt  }
0x84: {  	_ =	shalt  }
0x85: {  	_ =	shalt  }
0x86: {  	_ =	shalt  }
0x87: {  	_ =	shalt  }
.Lfunc_end0:
.L_simem_size_0:
called_computation_lowered:
.L_overlay_start_0:
0x88: {  	s2 =	sld [smem:$0x3FD9]  }
0x89: {  	s3 =	sld [smem:$0x3FFE];
	_ =	sdelay $0x1  }
0x8a: {  	s1 =	srdreg.scid  }
0x8b: {  	s0 =	sand.u32 $0x1, s1  }
0x8c: {  	s17 =	sshll.u32 s0, $0xA;
	s2 =	sadd.s32 s3, s2  }
0x8d: {  	s2 =	sadd.s32 s2, s17  }
0x8e: {  	[smem:$0x3FC2] =	sst s2  }
0x8f: {  	_ = 	snop  }
0x90: {  	s2 =	sld [smem:$0x3FD0];
	(tm) =	ssettm $0x1  }
0x91: {  	s18 =	sld [smem:$0x3FFB];
	_ =	sdelay $0x3  }
0x92: {  	_ =	strace s18  }
0x93: {  	s3 =	sld [smem:$0x3FFC];
	_ =	sdelay $0x3  }
0x94: {  	_ =	strace s3  }
0x95: {  	s3 =	sld [smem:$0x3FFD];
	_ =	sdelay $0x3  }
0x96: {  	_ =	strace s3  }
0x97: {  	_ =	strace $0x8FFFFFFF  }
0x98: {  	s19 =	sld [smem:$0x3FDB];
	_ =	sdelay $0x1  }
0x99: {  	s4 =	simm.s32 $_scs_section_size  }
0x9a: {  	s5 =	simm.s32 $_size__tile_overlayer_lowered;
	s6 =	simm.s32 $_tile_overlayer_lowered  }
0x9b: {  	s22 =	simm.s32 $0x1BFF;
	s21 =	sshll.u32 s6, $0x1;
	s3 =	sadd.s32 s4, s19  }
0x9c: {  	s7 =	simm.s32 $0x0;
	s20 =	sshll.u32 s5, $0x1;
	s5 =	sadd.s32 s21, s3  }
0x9d: {  	[timem:s7], [sflag:s22] =	dma.local [hbm:s5], s20  }
0x9e: {  	_ =	swait.ge [sflag:s22], s20  }
0x9f: {  	s4 =	ssub.s32 $0x0, s20;
	[sflag:s22] =	ssyncset.done $0x0  }
0xa0: {  	[sflag:s22] =	ssyncadd.s32 s4;
	_ =	sdelay $0x1  }
0xa1: {  	s23 =	simm.s32 $0x1B8B  }
0xa2: {  	_ =	swait.ge [sflag:s23], $0x1  }
0xa3: {  	[sflag:s23] =	ssyncset.done $0x0  }
0xa4: {  	s25 =	simm.s32 $0x1B8E;
	s24 =	sld [smem:$0x3FFE];
	[sflag:s23] =	ssyncadd.s32 $0xFFFFFFFF  }
0xa5: {  	s26 =	simm.s32 $execute0_lowered;
	[smem:$0x3FD2] =	sst s25  }
0xa6: {  	s5 =	sshll.u32 s26, $0x1;
	_ =	strace $0x80000046;
	[dreg:$0x1] =	wrdreg $0xFFFFFFFF  }
0xa7: {  	s28 =	simm.s32 $_size_execute0_lowered;
	s3 =	sadd.s32 s3, s5;
	[dreg:$0x0] =	wrdreg $0x0  }
0xa8: {  	s5 =	sshll.u32 s28, $0x1;
	[dreg:$0x2] =	wrdreg s3  }
0xa9: {  	[dreg:$0x3] =	wrdreg s5  }
0xaa: {  	[dreg:$0x4] =	wrdreg $0xC0  }
0xab: {  	_ =	task [dreg:s7], $0x5FFFF  }
0xac: {  	[dreg:$0x1] =	wrdreg $0xFFFFFFFF  }
0xad: {  	[dreg:$0x0] =	wrdreg $0x60  }
0xae: {  	[dreg:$0x2] =	wrdreg s24  }
0xaf: {  	[dreg:$0x3] =	wrdreg s2  }
0xb0: {  	[dreg:$0x4] =	wrdreg $0x9  }
0xb1: {  	_ =	task.clear_ibuf [dreg:s7], $0x5FFFF;
	_ =	strace $0x90000046  }
0xb2: {  	s29 =	simm.s32 $0x9;
	_ =	strace $0x80000048  }
0xb3: {  	_ =	swait.ge [sflag:s29], $0x1  }
0xb4: {  	[sflag:s29] =	ssyncadd.s32 $0xFFFFFFFF  }
0xb5: {  	_ =	strace $0x90000048  }
0xb6: {  	_ =	sfence  }
0xb7: {  	s30 =	sld [smem:$0x0];
	_ =	sdelay $0x2  }
0xb8: {  	s31 =	sshll.u32 s1, $0xD;
	s1 =	sshrl.u32 s1, $0x2  }
0xb9: {  	s3 =	sand.u32 $0x4000, s31;
	s1 =	sadd.s32 s1, s30  }
0xba: {  	s0 =	sor.u32 s3, s0;
	s1 =	sshll.u32 s1, $0x11  }
0xbb: {  	s0 =	sor.u32 s1, s0  }
0xbc: {  	s0 =	sadd.s32 $0x8F2B, s0  }
0xbd: {  	[sflag:s0] =	ssyncadd.remote.s32 $0x1  }
0xbe: {  	_ =	sfence.sel $0xFFFF  }
0xbf: {  	[dreg:$0x0] =	wrdreg $0xFFFFFFFF;
	(pc) =	sbr.abs _section_cstart, $3  }
0xc0: {  	[dreg:$0x1] =	wrdreg $0xFFFFFFFF  }
0xc1: {  	_ =	task.clear_ibuf [dreg:s7], $0x2FFFF;
	_ =	strace $0x9FFFFFFF  }
0xc2: {  	(tm) =	ssettm $0x7FFFFFFF  }
0xc3: {  	_ =	shalt  }
tec
execute0_lowered:
.L_overlay_start_1:
0x0: {  	(tag) =	ssettag $0x1  }
0x1: {  	s5 =	rddreg [dreg:$0x0]  }
0x2: {  	s1 =	rddreg [dreg:$0x1]  }
0x3: {  	s0 =	rddreg [dreg:$0x2];
	s2 =	simm.s32 $0x0;
	s3 =	srdreg.scid  }
0x4: {  	[smem:$0x7FF] =	sst s2;
	s6 =	sand.u32 $0x1, s3  }
0x5: {  	s3 =	stileid.u32;
	s4 =	sadd.s32 $0x1E00, s5;
	s7 =	ssub.s32 $0x2, s6  }
0x6: {  	s10 =	sadd.s32 $0x3E00, s5;
	s9 =	sshll.u32 s3, $0x1;
	s8 =	sshrl.u32 s7, $0x1  }
0x7: {  	_ =	strace $0x80000047;
	s6 =	sor.u32 s6, s9;
	s7 =	ssub.s32 s7, s8  }
0x8: {  	s30 =	sshll.u32 s6, $0x5;
	s31 =	sshll.u32 s6, $0xD;
	s9 =	sor.u32 $0x20, s6  }
0x9: {  	s8 =	simm.s32 $0x10000;
	s5 =	sadd.s32 s10, s31;
	s11 =	sshll.u32 s9, $0x5  }
0xa: {  	v4 =	vimm.f32 $0.0e+00;
	v5 =	vimm.f32 $1.000000000e+00;
	s12 =	sshll.u32 s9, $0xD;
	v2 =	vmov s9;
	s7 =	smax.u32 s7, $0x1;
	s9 =	simm.s32 $0x1  }
0xb: {  	v0 =	vmov s6;
	v1 =	vmov s30;
	s6 =	sadd.s32 s10, s12;
	v3 =	vmov s11;
	s10 =	simm.s32 $0x10800;
	s11 =	simm.s32 $0x0  }
.LBB2_1:
0xc: {  	s12 =	simm.s32 $0x40;
	s13 =	simm.s32 $0x0  }
.LBB2_2:
0xd: {  	p0 =	sne.s32 s12, $0x3FFC0;
	[tilespmem:s13+$0x0] =	vst v4;
	s13 =	smov.u32 s12;
	s12 =	sadd.s32 $0x40, s12  }
.Ltmp0:
0xe: {  	(pc) =	sbr.rel @p0 .LBB2_2-.Ltmp0, $2  }
0xf: {  	_ =	sdelay $0x2  }
0x10: {  	s13 =	sshra.s32 s13, $0x2  }
0x11: {  	[tilespmem:s13+$0x0] =	vst v4;
	s12 =	simm.s32 $0x0;
	s13 =	simm.s32 $0x0  }
.LBB2_4:
0x12: {  	s14 =	sshll.u32 s13, $0x8  }
0x13: {  	s15 =	sadd.s32 s4, s14  }
0x14: {  	[tilespmem:s8], [sflag:$0x1] =	stream.linear.gather [hbm4b:s15+s12], $0x800, $0x38;
	[tilespmem:$0x11000] =	vst v63  }
0x15: {  	_ =	swait.ge [sflag:s9], $0x800  }
0x16: {  	[sflag:s9] =	ssyncset.done $0x0  }
0x17: {  	s14 =	sadd.s32 s1, s14;
	[sflag:s9] =	ssyncadd.s32 $0xFFFFF800  }
0x18: {  	[tilespmem:s10], [sflag:$0x1] =	stream.linear.gather [hbm4b:s14+s12], $0x800, $0x38;
	[tilespmem:$0x11000] =	vst v63  }
0x19: {  	_ =	swait.ge [sflag:s9], $0x800  }
0x1a: {  	[sflag:s9] =	ssyncset.done $0x0  }
0x1b: {  	s15 =	simm.s32 $0x0;
	s14 =	simm.s32 $0x40;
	[sflag:s9] =	ssyncadd.s32 $0xFFFFF800  }
.LBB2_5:
0x1c: {  	p0 =	sne.s32 s14, $0x1FC0;
	v6 =	vld [tilespmem:s15+$0x10000];
	_ =	sdelay $0x1  }
0x1d: {  	v7 =	vld [tilespmem:s15+$0x10800];
	_ =	sdelay $0x2  }
0x1e: {  	v8 =	vsub.s32 v6, v1  }
0x1f: {  	v6 =	vshrl.u32 v6, $0x5;
	v8 =	vshll.u32 v8, $0xB  }
0x20: {  	vm0 =	veq.s32 v6, v0;
	v6 =	vadd.s32 v7, v8  }
0x21: {  	v6 =	vnsel vm0, $0x0, v6  }
.Ltmp1:
0x22: {  	(pc) =	sbr.rel @p0 .LBB2_5-.Ltmp1, $2  }
0x23: {  	_ =	sdelay $0x2  }
0x24: {  	s15 =	sshra.s32 s14, $0x2;
	s14 =	sadd.s32 $0x40, s14;
	[tilespmem:v6+s2+$0x0] =	vst.idx.add.f32.msk vm0, v5  }
0x25: {  	v6 =	vld [tilespmem:s15+$0x10000];
	_ =	sdelay $0x1  }
0x26: {  	v7 =	vld [tilespmem:s15+$0x10800];
	_ =	sdelay $0x2  }
0x27: {  	v8 =	vsub.s32 v6, v1  }
0x28: {  	v6 =	vshrl.u32 v6, $0x5;
	v8 =	vshll.u32 v8, $0xB  }
0x29: {  	s13 =	sadd.s32 $0x1, s13;
	vm0 =	veq.s32 v6, v0;
	v6 =	vadd.s32 v7, v8  }
0x2a: {  	p0 =	sne.s32 s13, $0x20;
	v6 =	vnsel vm0, $0x0, v6  }
.Ltmp2:
0x2b: {  	_ = 	snop;
	(pc) =	sbr.rel @p0 .LBB2_4-.Ltmp2, $2  }
0x2c: {  	_ =	sdelay $0x2  }
0x2d: {  	[tilespmem:v6+s2+$0x0] =	vst.idx.add.f32.msk vm0, v5  }
0x2e: {  	s12 =	simm.s32 $0x0  }
0x2f: {  	[hbm4b:s5+s12] =	stream.linear.scatter [tilespmem:s12], [sflag:$0x1], $0x10000, $0x38;
	[tilespmem:$0x11000] =	vst v63  }
0x30: {  	_ =	swait.ge [sflag:s9], $0x10000  }
0x31: {  	[sflag:s9] =	ssyncset.done $0x0  }
0x32: {  	s13 =	simm.s32 $0x40;
	s14 =	simm.s32 $0x0;
	[sflag:s9] =	ssyncadd.s32 $0xFFFF0000  }
.LBB2_8:
0x33: {  	p0 =	sne.s32 s13, $0x3FFC0;
	[tilespmem:s14+$0x0] =	vst v4;
	s14 =	smov.u32 s13;
	s13 =	sadd.s32 $0x40, s13  }
.Ltmp3:
0x34: {  	(pc) =	sbr.rel @p0 .LBB2_8-.Ltmp3, $2  }
0x35: {  	_ =	sdelay $0x2  }
0x36: {  	s14 =	sshra.s32 s14, $0x2  }
0x37: {  	[tilespmem:s14+$0x0] =	vst v4  }
.LBB2_10:
0x38: {  	s13 =	sshll.u32 s12, $0x8  }
0x39: {  	s15 =	simm.s32 $0x0;
	s14 =	sadd.s32 s4, s13  }
0x3a: {  	[tilespmem:s8], [sflag:$0x1] =	stream.linear.gather [hbm4b:s14+s15], $0x800, $0x38;
	[tilespmem:$0x11000] =	vst v63  }
0x3b: {  	_ =	swait.ge [sflag:s9], $0x800  }
0x3c: {  	[sflag:s9] =	ssyncset.done $0x0  }
0x3d: {  	s13 =	sadd.s32 s1, s13;
	[sflag:s9] =	ssyncadd.s32 $0xFFFFF800  }
0x3e: {  	[tilespmem:s10], [sflag:$0x1] =	stream.linear.gather [hbm4b:s13+s15], $0x800, $0x38;
	[tilespmem:$0x11000] =	vst v63  }
0x3f: {  	_ =	swait.ge [sflag:s9], $0x800  }
0x40: {  	[sflag:s9] =	ssyncset.done $0x0  }
0x41: {  	s14 =	simm.s32 $0x0;
	s13 =	simm.s32 $0x40;
	[sflag:s9] =	ssyncadd.s32 $0xFFFFF800  }
.LBB2_11:
0x42: {  	p0 =	sne.s32 s13, $0x1FC0;
	v6 =	vld [tilespmem:s14+$0x10000];
	_ =	sdelay $0x1  }
0x43: {  	v7 =	vld [tilespmem:s14+$0x10800];
	_ =	sdelay $0x2  }
0x44: {  	v8 =	vsub.s32 v6, v3  }
0x45: {  	v6 =	vshrl.u32 v6, $0x5;
	v8 =	vshll.u32 v8, $0xB  }
0x46: {  	vm0 =	veq.s32 v6, v2;
	v6 =	vadd.s32 v7, v8  }
0x47: {  	v6 =	vnsel vm0, $0x0, v6  }
.Ltmp4:
0x48: {  	(pc) =	sbr.rel @p0 .LBB2_11-.Ltmp4, $2  }
0x49: {  	_ =	sdelay $0x2  }
0x4a: {  	s14 =	sshra.s32 s13, $0x2;
	s13 =	sadd.s32 $0x40, s13;
	[tilespmem:v6+s2+$0x0] =	vst.idx.add.f32.msk vm0, v5  }
0x4b: {  	v6 =	vld [tilespmem:s14+$0x10000];
	_ =	sdelay $0x1  }
0x4c: {  	v7 =	vld [tilespmem:s14+$0x10800];
	_ =	sdelay $0x2  }
0x4d: {  	v8 =	vsub.s32 v6, v3  }
0x4e: {  	v6 =	vshrl.u32 v6, $0x5;
	v8 =	vshll.u32 v8, $0xB  }
0x4f: {  	s12 =	sadd.s32 $0x1, s12;
	vm0 =	veq.s32 v6, v2;
	v6 =	vadd.s32 v7, v8  }
0x50: {  	p0 =	sne.s32 s12, $0x20;
	v6 =	vnsel vm0, $0x0, v6  }
.Ltmp5:
0x51: {  	_ = 	snop;
	(pc) =	sbr.rel @p0 .LBB2_10-.Ltmp5, $2  }
0x52: {  	_ =	sdelay $0x2  }
0x53: {  	[tilespmem:v6+s2+$0x0] =	vst.idx.add.f32.msk vm0, v5  }
0x54: {  	s11 =	sadd.s32 $0x1, s11  }
0x55: {  	p0 =	sne.s32 s11, s7  }
.Ltmp6:
0x56: {  	_ = 	snop;
	(pc) =	sbr.rel @p0 .LBB2_1-.Ltmp6, $4  }
0x57: {  	[hbm4b:s6+s2] =	stream.linear.scatter [tilespmem:s2], [sflag:$0x1], $0x10000, $0x38;
	[tilespmem:$0x11000] =	vst v63  }
0x58: {  	_ =	swait.ge [sflag:s9], $0x10000  }
0x59: {  	[sflag:s9] =	ssyncset.done $0x0  }
0x5a: {  	[sflag:s9] =	ssyncadd.s32 $0xFFFF0000  }
0x5b: {  	_ =	sfence.sel $0x180000  }
0x5c: {  	[bflag:$0x0] =	sbarrier.arrive $0xFFFF  }
0x5d: {  	p0 =	sne.s32 s3, $0x0;
	_ =	strace $0x90000047  }
0x5e: {  	s0 =	sadd.s32 @!p0 $0x100000, s0;
	[bflag:$0x2] =	sbarrier.arrive $0xFFFF  }
0x5f: {  	[sflag:s0] =	ssyncadd.tile.s32 @!p0 $0x1;
	_ =	shalt  }
.Lfunc_end2:
_tile_overlayer_lowered:
.L_overlay_start_2:
0x60: {  	(tag) =	ssettag $0x2  }
0x61: {  	s0 =	rddreg [dreg:$0x0];
	s2 =	stileid.u32  }
0x62: {  	s1 =	rddreg [dreg:$0x1];
	p0 =	sne.s32 s2, $0x0  }
0x63: {  	s3 =	rddreg [dreg:$0x2];
	[bflag:$0x3] =	sbarrier.arrive $0xFFFF;
	s2 =	simm.s32 @!p0 $0x1C01  }
0x64: {  	[timem:s3], [sflag:s2] =	dma.local @!p0 [hbm:s0], s1  }
0x65: {  	s0 =	simm.s32 @!p0 $0x1  }
0x66: {  	_ =	swait.ge @!p0 [sflag:s0], s1  }
0x67: {  	s1 =	ssub.s32 @!p0 $0x0, s1;
	[sflag:s0] =	ssyncset.done @!p0 $0x0  }
0x68: {  	[sflag:s0] =	ssyncadd.s32 @!p0 s1  }
0x69: {  	[bflag:$0x3] =	sbarrier.arrive $0xFFFF  }
0x6a: {  	_ =	shalt  }

</sc_bundles>
